<compile_context>
chip_gen: v7x
topology: tpu7x:2x2x1
jax: 0.10.2.dev20260603
libtpu: 0.0.44.dev20260713+nightly
codegen_flags: <defaults>
</compile_context>

<pallas_src>
import functools

import jax
import jax.numpy as jnp
from jax import lax
from jax.experimental import pallas as pl
from jax.experimental.pallas import tpu as pltpu
from jax.experimental.pallas import tpu_sc as plsc

N = 10000
E = 320000
D = 128
HG = 16
B = 64

N8 = 10240
NW = 32
CH = 10368
NSTR = CH // 128
EP = NW * CH
NSL = N8 // 16



def _proj_body(x1_ref, x2_ref, x3_ref, w1_ref, w2_ref, w3_ref,
               asrc_ref, adst_ref, ea_ref, we_ref, ae_ref,
               h_ref, av_ref, dv_ref, easum_ref):
    f = jnp.float32
    dd = lambda a, b: jnp.dot(a, b, preferred_element_type=f)
    x1, x2, x3 = x1_ref[...], x2_ref[...], x3_ref[...]
    w1, w2, w3 = w1_ref[...], w2_ref[...], w3_ref[...]
    h = ((dd(x2, w2) + dd(x1, w3) + dd(x3, w1))
         + (dd(x1, w2) + dd(x2, w1))) + dd(x1, w1)
    h_ref[...] = h
    av_ref[...] = jnp.sum(h * asrc_ref[...], axis=1, keepdims=True)
    dv_ref[...] = jnp.sum(h * adst_ref[...], axis=1, keepdims=True)

    @pl.when(pl.program_id(0) == 0)
    def _():
        s = jnp.sum(ea_ref[...])
        c = jnp.sum(we_ref[...] * ae_ref[...])
        easum_ref[...] = jnp.stack([s, c]).reshape(1, 2)


def _project(x1, x2, x3, w1, w2, w3, att_src, att_dst, ea_r, we, ae):
    nblk = N8 // 512
    return pl.pallas_call(
        _proj_body,
        grid=(nblk,),
        in_specs=[
            pl.BlockSpec((512, D), lambda i: (i, 0)),
            pl.BlockSpec((512, D), lambda i: (i, 0)),
            pl.BlockSpec((512, D), lambda i: (i, 0)),
            pl.BlockSpec((D, HG), lambda i: (0, 0)),
            pl.BlockSpec((D, HG), lambda i: (0, 0)),
            pl.BlockSpec((D, HG), lambda i: (0, 0)),
            pl.BlockSpec((1, HG), lambda i: (0, 0)),
            pl.BlockSpec((1, HG), lambda i: (0, 0)),
            pl.BlockSpec((2500, 128), lambda i: (0, 0)),
            pl.BlockSpec((HG, 1), lambda i: (0, 0)),
            pl.BlockSpec((HG, 1), lambda i: (0, 0)),
        ],
        out_specs=[
            pl.BlockSpec((512, HG), lambda i: (i, 0)),
            pl.BlockSpec((512, 1), lambda i: (i, 0)),
            pl.BlockSpec((512, 1), lambda i: (i, 0)),
            pl.BlockSpec((1, 2), lambda i: (0, 0)),
        ],
        out_shape=[
            jax.ShapeDtypeStruct((N8, HG), jnp.float32),
            jax.ShapeDtypeStruct((N8, 1), jnp.float32),
            jax.ShapeDtypeStruct((N8, 1), jnp.float32),
            jax.ShapeDtypeStruct((1, 2), jnp.float32),
        ],
    )(x1, x2, x3, w1, w2, w3, att_src, att_dst, ea_r, we, ae)



def _sc_body(src2d_h, dst2d_h, ea_h, asv_h, adv_h, h_h,
             cvec_h,
             den_out, node_out,
             src2d_v, dst2d_v, exf_v, asv_v, adv_v,
             rows_v, znode_v, zden_v, dwr_v, cvec_v,
             shared_den, shared_node,
             gsem):
    cid = lax.axis_index("c")
    sid = lax.axis_index("s")
    wid = sid * 2 + cid
    base = wid * CH

    def zero_body(i, _):
        znode_v[i, :] = jnp.zeros((16,), jnp.float32)
        return 0
    lax.fori_loop(0, NSL, zero_body, 0)

    def zden_body(i, _):
        zden_v[pl.ds(i * 16, 16)] = jnp.zeros((16,), jnp.float32)
        return 0
    lax.fori_loop(0, NSL // 16, zden_body, 0)

    pltpu.sync_copy(znode_v, shared_node.at[pl.ds(sid * NSL, NSL)])
    pltpu.sync_copy(zden_v, shared_den.at[pl.ds(sid * NSL, NSL)])

    pltpu.sync_copy(src2d_h.at[wid], src2d_v)
    pltpu.sync_copy(dst2d_h.at[wid], dst2d_v)
    pltpu.sync_copy(ea_h.at[pl.ds(base, CH)], exf_v)
    pltpu.sync_copy(asv_h, asv_v)
    pltpu.sync_copy(adv_h, adv_v)
    pltpu.sync_copy(cvec_h, cvec_v)
    c_edge = cvec_v[...]

    def alpha_body(j, _):
        for k in range(8):
            si = src2d_v[j, pl.ds(k * 16, 16)]
            di = dst2d_v[j, pl.ds(k * 16, 16)]
            sl = pl.ds(j * 128 + k * 16, 16)
            asg = plsc.load_gather(asv_v, [si])
            adg = plsc.load_gather(adv_v, [di])
            a = asg + adg + exf_v[sl] * c_edge
            a = jnp.where(a > 0, a, 0.2 * a)
            exf_v[sl] = jnp.exp(a)
        return 0
    lax.fori_loop(0, NSTR, alpha_body, 0)

    plsc.subcore_barrier()

    def den_body(j, _):
        pltpu.sync_copy(exf_v.at[pl.ds(j * 128, 128)],
                        shared_den.at[dst2d_v.at[j]], add=True)
        return 0
    lax.fori_loop(0, NSTR, den_body, 0)

    def slab_body(j, _):
        pltpu.async_copy(h_h.at[src2d_v.at[j]], rows_v, gsem).wait()

        def scale_body(r16, _):
            ex16 = exf_v[pl.ds(j * 128 + r16 * 16, 16)]
            base = r16 * 16
            for k in range(16):
                rows_v[base + k, :] = rows_v[base + k, :] * ex16[k]
            return 0
        lax.fori_loop(0, 8, scale_body, 0)

        pltpu.sync_copy(rows_v, shared_node.at[dst2d_v.at[j]], add=True)
        return 0
    lax.fori_loop(0, NSTR, slab_body, 0)

    plsc.subcore_barrier()

    pltpu.sync_copy(shared_den.at[pl.ds(sid * NSL, NSL)], dwr_v)
    pltpu.sync_copy(dwr_v, den_out.at[cid].at[pl.ds(sid * NSL, NSL)])
    pltpu.sync_copy(shared_node.at[pl.ds(sid * NSL, NSL)], znode_v)
    pltpu.sync_copy(znode_v, node_out.at[cid].at[pl.ds(sid * NSL, NSL)])


def _sc_messages(src2d, dst2d, eaf, asv, adv, h, cvec):
    mesh = plsc.VectorSubcoreMesh(core_axis_name="c", subcore_axis_name="s",
                                  num_cores=2, num_subcores=16)
    return pl.kernel(
        _sc_body,
        out_type=[
            jax.ShapeDtypeStruct((2, N8), jnp.float32),
            jax.ShapeDtypeStruct((2, N8, HG), jnp.float32),
        ],
        mesh=mesh,
        scratch_types=[
            pltpu.VMEM((NSTR, 128), jnp.int32),
            pltpu.VMEM((NSTR, 128), jnp.int32),
            pltpu.VMEM((CH,), jnp.float32),
            pltpu.VMEM((N8,), jnp.float32),
            pltpu.VMEM((N8,), jnp.float32),
            pltpu.VMEM((128, HG), jnp.float32),
            pltpu.VMEM((NSL, HG), jnp.float32),
            pltpu.VMEM((NSL,), jnp.float32),
            pltpu.VMEM((NSL,), jnp.float32),
            pltpu.VMEM((16,), jnp.float32),
            pltpu.VMEM_SHARED((N8,), jnp.float32),
            pltpu.VMEM_SHARED((N8, HG), jnp.float32),
            pltpu.SemaphoreType.DMA,
        ],
        compiler_params=pltpu.CompilerParams(needs_layout_passes=False,
                                             use_tc_tiling_on_sc=False),
    )(src2d, dst2d, eaf, asv, adv, h, cvec)



def _recip(b):
    r = 1.0 / b
    return r + r * (1.0 - b * r)


def _bn(x, g, b):
    m = jnp.mean(x, axis=0)
    v = jnp.mean((x - m) * (x - m), axis=0) + 1e-5
    t = jax.lax.rsqrt(v)
    t = t * (1.5 - 0.5 * v * t * t)
    return (x - m) * t * g + b


def _mm(a, w):
    return jnp.dot(a, w, preferred_element_type=jnp.float32)


def _head_body(nodep_ref, denp_ref, batch_ref, bgat_ref,
               bn1g_ref, bn1b_ref, fc2W_ref, fc2b_ref, bn2g_ref, bn2b_ref,
               rW1_ref, rb1_ref, rbn1g_ref, rbn1b_ref,
               rW2_ref, rb2_ref, rbn2g_ref, rbn2b_ref,
               outW_ref, outb_ref, out_ref):
    den = denp_ref[0] + denp_ref[1] + 1e-16
    no = (nodep_ref[0] + nodep_ref[1]) * _recip(den)[:, None] + bgat_ref[...]
    bt = batch_ref[0, :]
    iota = jax.lax.broadcasted_iota(jnp.int32, (B, 1), 0)
    M = (bt[None, :] == iota).astype(jnp.float32)
    cnt = jnp.sum(M, axis=1)
    Mb = M.astype(jnp.bfloat16)
    no1 = jax.lax.bitcast_convert_type(
        jax.lax.bitcast_convert_type(no, jnp.int32)
        & jnp.int32(-65536), jnp.float32)
    no2 = no - no1
    g = (jnp.dot(Mb, no1.astype(jnp.bfloat16), preferred_element_type=jnp.float32)
         + jnp.dot(Mb, no2.astype(jnp.bfloat16), preferred_element_type=jnp.float32))
    g = g * _recip(jnp.maximum(cnt, 1.0))[:, None]

    g = jax.nn.relu(_bn(g, bn1g_ref[...], bn1b_ref[...]))
    g = _mm(g, fc2W_ref[...]) + fc2b_ref[...]
    g = jax.nn.relu(_bn(g, bn2g_ref[...], bn2b_ref[...]))
    res = g
    g = _mm(g, rW1_ref[...]) + rb1_ref[...]
    g = jax.nn.relu(_bn(g, rbn1g_ref[...], rbn1b_ref[...]))
    g = _mm(g, rW2_ref[...]) + rb2_ref[...]
    g = _bn(g, rbn2g_ref[...], rbn2b_ref[...])
    g = jax.nn.relu(g + res)
    out_ref[...] = _mm(g, outW_ref[...]) + outb_ref[...]


def _head(nodep, denp, batch2, bgat, *params):
    return pl.pallas_call(
        _head_body,
        out_shape=jax.ShapeDtypeStruct((B, 1), jnp.float32),
    )(nodep, denp, batch2, bgat, *params)



@jax.jit
def kernel(x, edge_index, edge_attr, batch, W_gat, att_src, att_dst, W_edge,
           att_edge, b_gat, bn1_g, bn1_b, fc2_W, fc2_b, bn2_g, bn2_b,
           r_W1, r_b1, r_bn1_g, r_bn1_b, r_W2, r_b2, r_bn2_g, r_bn2_b,
           out_W, out_b):
    x_pad = jnp.pad(x, ((0, N8 - N), (0, 0)))
    ea_r = edge_attr.reshape(2500, 128)
    def _split3(a):
        a1 = a.astype(jnp.bfloat16)
        r1 = a - a1.astype(jnp.float32)
        a2 = r1.astype(jnp.bfloat16)
        a3 = (r1 - a2.astype(jnp.float32)).astype(jnp.bfloat16)
        return a1, a2, a3

    x1, x2, x3 = _split3(x_pad)
    w1, w2, w3 = _split3(W_gat)

    h, asv, adv, easum = _project(
        x1, x2, x3, w1, w2, w3,
        att_src.reshape(1, HG), att_dst.reshape(1, HG), ea_r,
        W_edge.reshape(HG, 1), att_edge.reshape(HG, 1))
    mean_attr = easum[0, 0] / jnp.float32(E)
    cvec = jnp.full((16,), easum[0, 1], jnp.float32)

    loop = jnp.arange(N, dtype=jnp.int32)
    padi = jnp.full((EP - E - N,), N, dtype=jnp.int32)
    src2 = jnp.concatenate([edge_index[0].astype(jnp.int32), loop, padi])
    dst2 = jnp.concatenate([edge_index[1].astype(jnp.int32), loop, padi])
    ea2 = jnp.concatenate([
        edge_attr[:, 0],
        jnp.full((N,), mean_attr, jnp.float32),
        jnp.zeros((EP - E - N,), jnp.float32),
    ])
    src2d = src2.reshape(NW, NSTR, 128)
    dst2d = dst2.reshape(NW, NSTR, 128)

    denp, nodep = _sc_messages(
        src2d, dst2d, ea2,
        asv.reshape(N8), adv.reshape(N8), h, cvec)

    batch2 = jnp.tile(jnp.pad(batch.astype(jnp.int32), (0, N8 - N),
                              constant_values=B).reshape(1, N8), (8, 1))

    out = _head(
        nodep, denp, batch2, b_gat.reshape(1, HG),
        bn1_g.reshape(1, HG), bn1_b.reshape(1, HG), fc2_W,
        fc2_b.reshape(1, HG), bn2_g.reshape(1, HG), bn2_b.reshape(1, HG),
        r_W1, r_b1.reshape(1, HG), r_bn1_g.reshape(1, HG), r_bn1_b.reshape(1, HG),
        r_W2, r_b2.reshape(1, HG), r_bn2_g.reshape(1, HG), r_bn2_b.reshape(1, HG),
        out_W, out_b.reshape(1, 1))
    return out

# --- scband reference (transcript-rebuilt; emitter-appended) ---
"""Pipeline reference for scband-sym-eq-net-20658792694054 (READ-ONLY COPY).

The authoritative reference and input builder live on the scoring server;
editing this copy changes nothing except your own understanding.
"""

import jax, jax.numpy as jnp
import numpy as np

N = 10000; E = 320000; D = 128; HG = 16; HL = 16; B = 64

def setup_inputs(seed: int = 0):
    key = jax.random.key(seed)
    k = [jax.random.fold_in(key, i) for i in range(20)]
    rn = lambda i, s: jax.random.normal(k[i], s, dtype=jnp.float32)
    inp = dict(
        x=rn(0, (N, D)),
        edge_index=jax.random.randint(k[1], (2, E), 0, N),
        edge_attr=rn(2, (E, 1)),
        batch=jnp.sort(jax.random.randint(k[3], (N,), 0, B)),
        W_gat=rn(4, (D, HG)) * 0.05,
        att_src=rn(5, (HG,)) * 0.1,
        att_dst=rn(6, (HG,)) * 0.1,
        W_edge=rn(7, (1, HG)) * 0.1,
        att_edge=rn(8, (HG,)) * 0.1,
        b_gat=jnp.zeros((HG,), jnp.float32),
        bn1_g=jnp.ones((HG,), jnp.float32), bn1_b=jnp.zeros((HG,), jnp.float32),
        fc2_W=rn(9, (HG, HL)) * 0.2, fc2_b=jnp.zeros((HL,), jnp.float32),
        bn2_g=jnp.ones((HL,), jnp.float32), bn2_b=jnp.zeros((HL,), jnp.float32),
        r_W1=rn(10, (HL, HL)) * 0.2, r_b1=jnp.zeros((HL,), jnp.float32),
        r_bn1_g=jnp.ones((HL,), jnp.float32), r_bn1_b=jnp.zeros((HL,), jnp.float32),
        r_W2=rn(11, (HL, HL)) * 0.2, r_b2=jnp.zeros((HL,), jnp.float32),
        r_bn2_g=jnp.ones((HL,), jnp.float32), r_bn2_b=jnp.zeros((HL,), jnp.float32),
        out_W=rn(12, (HL, 1)) * 0.2, out_b=jnp.zeros((1,), jnp.float32),
    )
    return inp

def _bn(x, g, b):
    m = jnp.mean(x, axis=0)
    v = jnp.var(x, axis=0)
    return (x - m) / jnp.sqrt(v + 1e-5) * g + b

def reference(x, edge_index, edge_attr, batch, W_gat, att_src, att_dst, W_edge, att_edge, b_gat,
              bn1_g, bn1_b, fc2_W, fc2_b, bn2_g, bn2_b,
              r_W1, r_b1, r_bn1_g, r_bn1_b, r_W2, r_b2, r_bn2_g, r_bn2_b, out_W, out_b):
    src = edge_index[0]; dst = edge_index[1]
    loop = jnp.arange(N)
    src2 = jnp.concatenate([src, loop])
    dst2 = jnp.concatenate([dst, loop])
    mean_attr = jnp.mean(edge_attr, axis=0, keepdims=True)
    ea = jnp.concatenate([edge_attr, jnp.broadcast_to(mean_attr, (N, 1))], axis=0)
    h = x @ W_gat
    e = ea @ W_edge
    alpha = (h @ att_src)[src2] + (h @ att_dst)[dst2] + e @ att_edge
    alpha = jnp.where(alpha > 0, alpha, 0.2 * alpha)
    amax = jax.ops.segment_max(alpha, dst2, num_segments=N)
    amax = jnp.where(jnp.isneginf(amax), 0.0, amax)
    ex = jnp.exp(alpha - amax[dst2])
    den = jax.ops.segment_sum(ex, dst2, num_segments=N)
    att = ex / (den[dst2] + 1e-16)
    node_out = jax.ops.segment_sum(h[src2] * att[:, None], dst2, num_segments=N) + b_gat
    cnt = jax.ops.segment_sum(jnp.ones((N,), jnp.float32), batch, num_segments=B)
    g = jax.ops.segment_sum(node_out, batch, num_segments=B) / jnp.clip(cnt, 1.0)[:, None]
    g = jax.nn.relu(_bn(g, bn1_g, bn1_b))
    g = jax.nn.relu(_bn(g @ fc2_W + fc2_b, bn2_g, bn2_b))
    res = g
    g = jax.nn.relu(_bn(g @ r_W1 + r_b1, r_bn1_g, r_bn1_b))
    g = _bn(g @ r_W2 + r_b2, r_bn2_g, r_bn2_b)
    g = jax.nn.relu(g + res)
    return g @ out_W + out_b

if __name__ == "__main__":
    import jax
    _d = setup_inputs()
    print(jax.jit(kernel)(*tuple(_d.values())))

</pallas_src>

<mosaic_0001>
#map = affine_map<(d0, d1) -> (0, 0, 0)>
#map1 = affine_map<(d0, d1) -> (0)>
#map2 = affine_map<(d0, d1) -> (0, 0)>
module attributes {stable_mosaic.version = 14 : i64} {
  func.func @_sc_body(%arg0: i32, %arg1: i32, %arg2: memref<32x81x128xi32, #tpu.memory_space<hbm>>, %arg3: memref<32x81x128xi32, #tpu.memory_space<hbm>>, %arg4: memref<331776xf32, #tpu.memory_space<hbm>>, %arg5: memref<10240xf32, #tpu.memory_space<hbm>>, %arg6: memref<10240xf32, #tpu.memory_space<hbm>>, %arg7: memref<10240x16xf32, #tpu.memory_space<hbm>>, %arg8: memref<16xf32, #tpu.memory_space<hbm>>, %arg9: memref<2x10240xf32, #tpu.memory_space<hbm>>, %arg10: memref<2x10240x16xf32, #tpu.memory_space<hbm>>, %arg11: memref<81x128xi32, #tpu.memory_space<vmem>>, %arg12: memref<81x128xi32, #tpu.memory_space<vmem>>, %arg13: memref<10368xf32, #tpu.memory_space<vmem>>, %arg14: memref<10240xf32, #tpu.memory_space<vmem>>, %arg15: memref<10240xf32, #tpu.memory_space<vmem>>, %arg16: memref<128x16xf32, #tpu.memory_space<vmem>>, %arg17: memref<640x16xf32, #tpu.memory_space<vmem>>, %arg18: memref<640xf32, #tpu.memory_space<vmem>>, %arg19: memref<640xf32, #tpu.memory_space<vmem>>, %arg20: memref<16xf32, #tpu.memory_space<vmem>>, %arg21: memref<10240xf32, #tpu.memory_space<vmem_shared>>, %arg22: memref<10240x16xf32, #tpu.memory_space<vmem_shared>>, %arg23: memref<!tpu.dma_semaphore, #tpu.memory_space<semaphore_mem>>) attributes {dimension_semantics = [#tpu.dimension_semantics<core_parallel>, #tpu.dimension_semantics<subcore_parallel>], iteration_bounds = array<i64: 2, 16>, scalar_prefetch = 0 : i64, scratch_operands = 13 : i64, tpu.core_type = #tpu.core_type<sc_vector_subcore>, window_params = [{transform_indices = #map}, {transform_indices = #map}, {transform_indices = #map1}, {transform_indices = #map1}, {transform_indices = #map1}, {transform_indices = #map2}, {transform_indices = #map1}, {transform_indices = #map2}, {transform_indices = #map}]} {
    %mul3A = arith.constant 2 : i32
    %mul3A_0 = arith.muli %arg1, %mul3A : i32
    %add3A = arith.addi %mul3A_0, %arg0 : i32
    %mul3A_1 = arith.constant 10368 : i32
    %mul3A_2 = arith.muli %add3A, %mul3A_1 : i32
    %scan3A = arith.constant 0 : i32
    %scan3A_3 = arith.constant 0 : i32
    %scan3A_4 = arith.constant 640 : i32
    %scan3A_5 = arith.addi %scan3A_3, %scan3A_4 : i32
    %scan3A_6 = arith.constant 1 : i32
    %scan3A_7 = scf.for %scan3A_51 = %scan3A_3 to %scan3A_5 step %scan3A_6 iter_args(%scan3A_52 = %scan3A) -> (i32)  : i32 {
      %broadcast_in_dim3A = arith.constant 0.000000e+00 : f32
      %broadcast_in_dim3A_53 = vector.broadcast %broadcast_in_dim3A : f32 to vector<16xf32>
      %swap3A = arith.index_cast %scan3A_51 : i32 to index
      %swap3A_54 = arith.constant 0 : index
      %swap3A_55 = tpu.vector_load %arg17[%swap3A, %swap3A_54] {strides = array<i32>} : memref<640x16xf32, #tpu.memory_space<vmem>>, vector<16xf32>,
      tpu.vector_store %arg17[%swap3A, %swap3A_54], %broadcast_in_dim3A_53 {strides = array<i32>} : memref<640x16xf32, #tpu.memory_space<vmem>>, vector<16xf32>,
      %scan3A_56 = arith.constant 0 : i32
      scf.yield %scan3A_56 : i32
    }
    %scan3A_8 = arith.constant 640 : i32
    %scan3A_9 = arith.constant 0 : i32
    %scan3A_10 = arith.constant 0 : i32
    %scan3A_11 = arith.constant 40 : i32
    %scan3A_12 = arith.addi %scan3A_10, %scan3A_11 : i32
    %scan3A_13 = arith.constant 1 : i32
    %scan3A_14 = scf.for %scan3A_51 = %scan3A_10 to %scan3A_12 step %scan3A_13 iter_args(%scan3A_52 = %scan3A_9) -> (i32)  : i32 {
      %broadcast_in_dim3A = arith.constant 0.000000e+00 : f32
      %broadcast_in_dim3A_53 = vector.broadcast %broadcast_in_dim3A : f32 to vector<16xf32>
      %mul3A_54 = arith.constant 16 : i32
      %mul3A_55 = arith.muli %scan3A_51, %mul3A_54 : i32
      %swap3A = arith.index_cast %mul3A_55 : i32 to index
      %swap3A_56 = tpu.vector_load %arg18[%swap3A] {strides = array<i32>} : memref<640xf32, #tpu.memory_space<vmem>>, vector<16xf32>,
      tpu.vector_store %arg18[%swap3A], %broadcast_in_dim3A_53 {strides = array<i32>} : memref<640xf32, #tpu.memory_space<vmem>>, vector<16xf32>,
      %scan3A_57 = arith.constant 0 : i32
      scf.yield %scan3A_57 : i32
    }
    %scan3A_15 = arith.constant 40 : i32
    %mul3A_16 = arith.constant 640 : i32
    %mul3A_17 = arith.muli %arg1, %mul3A_16 : i32
    "tpu.region"() ({
      %run_scoped3A = tpu.sem_alloc : memref<!tpu.dma_semaphore, #tpu.memory_space<semaphore_mem>>
      %dma_start3A = arith.constant 0 : i32
      %dma_start3A_51 = tpu.memref_slice %arg22[%mul3A_17, %dma_start3A] : memref<10240x16xf32, #tpu.memory_space<vmem_shared>> -> memref<640x16xf32, #tpu.memory_space<vmem_shared>>
      %dma_start3A_52 = arith.constant 0 : i32
      %dma_start3A_53 = tpu.memref_slice %arg22[%mul3A_17, %dma_start3A_52] : memref<10240x16xf32, #tpu.memory_space<vmem_shared>> -> memref<640x16xf32, #tpu.memory_space<vmem_shared>>
      tpu.enqueue_dma source(%arg17 : memref<640x16xf32, #tpu.memory_space<vmem>>) target(%dma_start3A_53 : memref<640x16xf32, #tpu.memory_space<vmem_shared>>) target_semaphore(%run_scoped3A : memref<!tpu.dma_semaphore, #tpu.memory_space<semaphore_mem>>)
      %dma_wait3A = arith.constant 0 : i32
      %dma_wait3A_54 = tpu.memref_slice %arg22[%mul3A_17, %dma_wait3A] : memref<10240x16xf32, #tpu.memory_space<vmem_shared>> -> memref<640x16xf32, #tpu.memory_space<vmem_shared>>
      %dma_wait3A_55 = arith.constant 0 : i32
      %dma_wait3A_56 = tpu.memref_slice %arg22[%mul3A_17, %dma_wait3A_55] : memref<10240x16xf32, #tpu.memory_space<vmem_shared>> -> memref<640x16xf32, #tpu.memory_space<vmem_shared>>
      tpu.wait_dma2 semaphore(%run_scoped3A : memref<!tpu.dma_semaphore, #tpu.memory_space<semaphore_mem>>) src(%arg17 : memref<640x16xf32, #tpu.memory_space<vmem>>) dst(%dma_wait3A_56 : memref<640x16xf32, #tpu.memory_space<vmem_shared>>)
      tpu.yield
    }) : () -> ()
    %mul3A_18 = arith.constant 640 : i32
    %mul3A_19 = arith.muli %arg1, %mul3A_18 : i32
    "tpu.region"() ({
      %run_scoped3A = tpu.sem_alloc : memref<!tpu.dma_semaphore, #tpu.memory_space<semaphore_mem>>
      %dma_start3A = tpu.memref_slice %arg21[%mul3A_19] : memref<10240xf32, #tpu.memory_space<vmem_shared>> -> memref<640xf32, #tpu.memory_space<vmem_shared>>
      %dma_start3A_51 = tpu.memref_slice %arg21[%mul3A_19] : memref<10240xf32, #tpu.memory_space<vmem_shared>> -> memref<640xf32, #tpu.memory_space<vmem_shared>>
      tpu.enqueue_dma source(%arg18 : memref<640xf32, #tpu.memory_space<vmem>>) target(%dma_start3A_51 : memref<640xf32, #tpu.memory_space<vmem_shared>>) target_semaphore(%run_scoped3A : memref<!tpu.dma_semaphore, #tpu.memory_space<semaphore_mem>>)
      %dma_wait3A = tpu.memref_slice %arg21[%mul3A_19] : memref<10240xf32, #tpu.memory_space<vmem_shared>> -> memref<640xf32, #tpu.memory_space<vmem_shared>>
      %dma_wait3A_52 = tpu.memref_slice %arg21[%mul3A_19] : memref<10240xf32, #tpu.memory_space<vmem_shared>> -> memref<640xf32, #tpu.memory_space<vmem_shared>>
      tpu.wait_dma2 semaphore(%run_scoped3A : memref<!tpu.dma_semaphore, #tpu.memory_space<semaphore_mem>>) src(%arg18 : memref<640xf32, #tpu.memory_space<vmem>>) dst(%dma_wait3A_52 : memref<640xf32, #tpu.memory_space<vmem_shared>>)
      tpu.yield
    }) : () -> ()
    "tpu.region"() ({
      %run_scoped3A = tpu.sem_alloc : memref<!tpu.dma_semaphore, #tpu.memory_space<semaphore_mem>>
      %dma_start3A = arith.constant 0 : i32
      %dma_start3A_51 = arith.constant 0 : i32
      %dma_start3A_52 = tpu.memref_slice %arg2[%add3A, %dma_start3A, %dma_start3A_51] : memref<32x81x128xi32, #tpu.memory_space<hbm>> -> memref<1x81x128xi32, #tpu.memory_space<hbm>>
      %dma_start3A_53 = tpu.memref_squeeze %dma_start3A_52 : memref<1x81x128xi32, #tpu.memory_space<hbm>> -> memref<81x128xi32, #tpu.memory_space<hbm>>
      %dma_start3A_54 = arith.constant 0 : i32
      %dma_start3A_55 = arith.constant 0 : i32
      %dma_start3A_56 = tpu.memref_slice %arg2[%add3A, %dma_start3A_54, %dma_start3A_55] : memref<32x81x128xi32, #tpu.memory_space<hbm>> -> memref<1x81x128xi32, #tpu.memory_space<hbm>>
      %dma_start3A_57 = tpu.memref_squeeze %dma_start3A_56 : memref<1x81x128xi32, #tpu.memory_space<hbm>> -> memref<81x128xi32, #tpu.memory_space<hbm>>
      tpu.enqueue_dma source(%dma_start3A_57 : memref<81x128xi32, #tpu.memory_space<hbm>>) target(%arg11 : memref<81x128xi32, #tpu.memory_space<vmem>>) target_semaphore(%run_scoped3A : memref<!tpu.dma_semaphore, #tpu.memory_space<semaphore_mem>>)
      %dma_wait3A = arith.constant 0 : i32
      %dma_wait3A_58 = arith.constant 0 : i32
      %dma_wait3A_59 = tpu.memref_slice %arg2[%add3A, %dma_wait3A, %dma_wait3A_58] : memref<32x81x128xi32, #tpu.memory_space<hbm>> -> memref<1x81x128xi32, #tpu.memory_space<hbm>>
      %dma_wait3A_60 = tpu.memref_squeeze %dma_wait3A_59 : memref<1x81x128xi32, #tpu.memory_space<hbm>> -> memref<81x128xi32, #tpu.memory_space<hbm>>
      %dma_wait3A_61 = arith.constant 0 : i32
      %dma_wait3A_62 = arith.constant 0 : i32
      %dma_wait3A_63 = tpu.memref_slice %arg2[%add3A, %dma_wait3A_61, %dma_wait3A_62] : memref<32x81x128xi32, #tpu.memory_space<hbm>> -> memref<1x81x128xi32, #tpu.memory_space<hbm>>
      %dma_wait3A_64 = tpu.memref_squeeze %dma_wait3A_63 : memref<1x81x128xi32, #tpu.memory_space<hbm>> -> memref<81x128xi32, #tpu.memory_space<hbm>>
      tpu.wait_dma2 semaphore(%run_scoped3A : memref<!tpu.dma_semaphore, #tpu.memory_space<semaphore_mem>>) src(%dma_wait3A_64 : memref<81x128xi32, #tpu.memory_space<hbm>>) dst(%arg11 : memref<81x128xi32, #tpu.memory_space<vmem>>)
      tpu.yield
    }) : () -> ()
    "tpu.region"() ({
      %run_scoped3A = tpu.sem_alloc : memref<!tpu.dma_semaphore, #tpu.memory_space<semaphore_mem>>
      %dma_start3A = arith.constant 0 : i32
      %dma_start3A_51 = arith.constant 0 : i32
      %dma_start3A_52 = tpu.memref_slice %arg3[%add3A, %dma_start3A, %dma_start3A_51] : memref<32x81x128xi32, #tpu.memory_space<hbm>> -> memref<1x81x128xi32, #tpu.memory_space<hbm>>
      %dma_start3A_53 = tpu.memref_squeeze %dma_start3A_52 : memref<1x81x128xi32, #tpu.memory_space<hbm>> -> memref<81x128xi32, #tpu.memory_space<hbm>>
      %dma_start3A_54 = arith.constant 0 : i32
      %dma_start3A_55 = arith.constant 0 : i32
      %dma_start3A_56 = tpu.memref_slice %arg3[%add3A, %dma_start3A_54, %dma_start3A_55] : memref<32x81x128xi32, #tpu.memory_space<hbm>> -> memref<1x81x128xi32, #tpu.memory_space<hbm>>
      %dma_start3A_57 = tpu.memref_squeeze %dma_start3A_56 : memref<1x81x128xi32, #tpu.memory_space<hbm>> -> memref<81x128xi32, #tpu.memory_space<hbm>>
      tpu.enqueue_dma source(%dma_start3A_57 : memref<81x128xi32, #tpu.memory_space<hbm>>) target(%arg12 : memref<81x128xi32, #tpu.memory_space<vmem>>) target_semaphore(%run_scoped3A : memref<!tpu.dma_semaphore, #tpu.memory_space<semaphore_mem>>)
      %dma_wait3A = arith.constant 0 : i32
      %dma_wait3A_58 = arith.constant 0 : i32
      %dma_wait3A_59 = tpu.memref_slice %arg3[%add3A, %dma_wait3A, %dma_wait3A_58] : memref<32x81x128xi32, #tpu.memory_space<hbm>> -> memref<1x81x128xi32, #tpu.memory_space<hbm>>
      %dma_wait3A_60 = tpu.memref_squeeze %dma_wait3A_59 : memref<1x81x128xi32, #tpu.memory_space<hbm>> -> memref<81x128xi32, #tpu.memory_space<hbm>>
      %dma_wait3A_61 = arith.constant 0 : i32
      %dma_wait3A_62 = arith.constant 0 : i32
      %dma_wait3A_63 = tpu.memref_slice %arg3[%add3A, %dma_wait3A_61, %dma_wait3A_62] : memref<32x81x128xi32, #tpu.memory_space<hbm>> -> memref<1x81x128xi32, #tpu.memory_space<hbm>>
      %dma_wait3A_64 = tpu.memref_squeeze %dma_wait3A_63 : memref<1x81x128xi32, #tpu.memory_space<hbm>> -> memref<81x128xi32, #tpu.memory_space<hbm>>
      tpu.wait_dma2 semaphore(%run_scoped3A : memref<!tpu.dma_semaphore, #tpu.memory_space<semaphore_mem>>) src(%dma_wait3A_64 : memref<81x128xi32, #tpu.memory_space<hbm>>) dst(%arg12 : memref<81x128xi32, #tpu.memory_space<vmem>>)
      tpu.yield
    }) : () -> ()
    "tpu.region"() ({
      %run_scoped3A = tpu.sem_alloc : memref<!tpu.dma_semaphore, #tpu.memory_space<semaphore_mem>>
      %dma_start3A = tpu.memref_slice %arg4[%mul3A_2] : memref<331776xf32, #tpu.memory_space<hbm>> -> memref<10368xf32, #tpu.memory_space<hbm>>
      %dma_start3A_51 = tpu.memref_slice %arg4[%mul3A_2] : memref<331776xf32, #tpu.memory_space<hbm>> -> memref<10368xf32, #tpu.memory_space<hbm>>
      tpu.enqueue_dma source(%dma_start3A_51 : memref<10368xf32, #tpu.memory_space<hbm>>) target(%arg13 : memref<10368xf32, #tpu.memory_space<vmem>>) target_semaphore(%run_scoped3A : memref<!tpu.dma_semaphore, #tpu.memory_space<semaphore_mem>>)
      %dma_wait3A = tpu.memref_slice %arg4[%mul3A_2] : memref<331776xf32, #tpu.memory_space<hbm>> -> memref<10368xf32, #tpu.memory_space<hbm>>
      %dma_wait3A_52 = tpu.memref_slice %arg4[%mul3A_2] : memref<331776xf32, #tpu.memory_space<hbm>> -> memref<10368xf32, #tpu.memory_space<hbm>>
      tpu.wait_dma2 semaphore(%run_scoped3A : memref<!tpu.dma_semaphore, #tpu.memory_space<semaphore_mem>>) src(%dma_wait3A_52 : memref<10368xf32, #tpu.memory_space<hbm>>) dst(%arg13 : memref<10368xf32, #tpu.memory_space<vmem>>)
      tpu.yield
    }) : () -> ()
    "tpu.region"() ({
      %run_scoped3A = tpu.sem_alloc : memref<!tpu.dma_semaphore, #tpu.memory_space<semaphore_mem>>
      tpu.enqueue_dma source(%arg5 : memref<10240xf32, #tpu.memory_space<hbm>>) target(%arg14 : memref<10240xf32, #tpu.memory_space<vmem>>) target_semaphore(%run_scoped3A : memref<!tpu.dma_semaphore, #tpu.memory_space<semaphore_mem>>)
      tpu.wait_dma2 semaphore(%run_scoped3A : memref<!tpu.dma_semaphore, #tpu.memory_space<semaphore_mem>>) src(%arg5 : memref<10240xf32, #tpu.memory_space<hbm>>) dst(%arg14 : memref<10240xf32, #tpu.memory_space<vmem>>)
      tpu.yield
    }) : () -> ()
    "tpu.region"() ({
      %run_scoped3A = tpu.sem_alloc : memref<!tpu.dma_semaphore, #tpu.memory_space<semaphore_mem>>
      tpu.enqueue_dma source(%arg6 : memref<10240xf32, #tpu.memory_space<hbm>>) target(%arg15 : memref<10240xf32, #tpu.memory_space<vmem>>) target_semaphore(%run_scoped3A : memref<!tpu.dma_semaphore, #tpu.memory_space<semaphore_mem>>)
      tpu.wait_dma2 semaphore(%run_scoped3A : memref<!tpu.dma_semaphore, #tpu.memory_space<semaphore_mem>>) src(%arg6 : memref<10240xf32, #tpu.memory_space<hbm>>) dst(%arg15 : memref<10240xf32, #tpu.memory_space<vmem>>)
      tpu.yield
    }) : () -> ()
    "tpu.region"() ({
      %run_scoped3A = tpu.sem_alloc : memref<!tpu.dma_semaphore, #tpu.memory_space<semaphore_mem>>
      tpu.enqueue_dma source(%arg8 : memref<16xf32, #tpu.memory_space<hbm>>) target(%arg20 : memref<16xf32, #tpu.memory_space<vmem>>) target_semaphore(%run_scoped3A : memref<!tpu.dma_semaphore, #tpu.memory_space<semaphore_mem>>)
      tpu.wait_dma2 semaphore(%run_scoped3A : memref<!tpu.dma_semaphore, #tpu.memory_space<semaphore_mem>>) src(%arg8 : memref<16xf32, #tpu.memory_space<hbm>>) dst(%arg20 : memref<16xf32, #tpu.memory_space<vmem>>)
      tpu.yield
    }) : () -> ()
    %get3A = arith.constant 0 : index
    %get3A_20 = tpu.vector_load %arg20[%get3A] {strides = array<i32>} : memref<16xf32, #tpu.memory_space<vmem>>, vector<16xf32>,
    %scan3A_21 = arith.constant 0 : i32
    %scan3A_22 = arith.constant 0 : i32
    %scan3A_23 = arith.constant 81 : i32
    %scan3A_24 = arith.addi %scan3A_22, %scan3A_23 : i32
    %scan3A_25 = arith.constant 1 : i32
    %scan3A_26 = scf.for %scan3A_51 = %scan3A_22 to %scan3A_24 step %scan3A_25 iter_args(%scan3A_52 = %scan3A_21) -> (i32)  : i32 {
      %get3A_53 = arith.index_cast %scan3A_51 : i32 to index
      %get3A_54 = arith.constant 0 : index
      %get3A_55 = tpu.vector_load %arg11[%get3A_53, %get3A_54] {strides = array<i32>} : memref<81x128xi32, #tpu.memory_space<vmem>>, vector<16xi32>,
      %get3A_56 = arith.index_cast %scan3A_51 : i32 to index
      %get3A_57 = arith.constant 0 : index
      %get3A_58 = tpu.vector_load %arg12[%get3A_56, %get3A_57] {strides = array<i32>} : memref<81x128xi32, #tpu.memory_space<vmem>>, vector<16xi32>,
      %mul3A_59 = arith.constant 128 : i32
      %mul3A_60 = arith.muli %scan3A_51, %mul3A_59 : i32
      %add3A_61 = arith.constant 0 : i32
      %add3A_62 = arith.addi %mul3A_60, %add3A_61 : i32
      %gather3A = tpu.vector_load_idx %arg14[%get3A_55] : memref<10240xf32, #tpu.memory_space<vmem>>[vector<16xi32>], vector<16xf32>,
      %gather3A_63 = tpu.vector_load_idx %arg15[%get3A_58] : memref<10240xf32, #tpu.memory_space<vmem>>[vector<16xi32>], vector<16xf32>,
      %add3A_64 = arith.addf %gather3A, %gather3A_63 : vector<16xf32>
      %get3A_65 = arith.index_cast %add3A_62 : i32 to index
      %get3A_66 = tpu.vector_load %arg13[%get3A_65] {strides = array<i32>} : memref<10368xf32, #tpu.memory_space<vmem>>, vector<16xf32>,
      %mul3A_67 = arith.mulf %get3A_66, %get3A_20 : vector<16xf32>
      %add3A_68 = arith.addf %add3A_64, %mul3A_67 : vector<16xf32>
      %gt3A = arith.constant 0.000000e+00 : f32
      %gt3A_69 = vector.broadcast %gt3A : f32 to vector<16xf32>
      %gt3A_70 = arith.cmpf ogt, %add3A_68, %gt3A_69 : vector<16xf32>
      %mul3A_71 = arith.constant 2.000000e-01 : f32
      %mul3A_72 = vector.broadcast %mul3A_71 : f32 to vector<16xf32>
      %mul3A_73 = arith.mulf %mul3A_72, %add3A_68 : vector<16xf32>
      %select_n3A = arith.select %gt3A_70, %add3A_68, %mul3A_73 : vector<16xi1>, vector<16xf32>
      %exp3A = math.exp %select_n3A : vector<16xf32>
      %swap3A = arith.index_cast %add3A_62 : i32 to index
      %swap3A_74 = tpu.vector_load %arg13[%swap3A] {strides = array<i32>} : memref<10368xf32, #tpu.memory_space<vmem>>, vector<16xf32>,
      tpu.vector_store %arg13[%swap3A], %exp3A {strides = array<i32>} : memref<10368xf32, #tpu.memory_space<vmem>>, vector<16xf32>,
      %get3A_75 = arith.index_cast %scan3A_51 : i32 to index
      %get3A_76 = arith.constant 16 : index
      %get3A_77 = tpu.vector_load %arg11[%get3A_75, %get3A_76] {strides = array<i32>} : memref<81x128xi32, #tpu.memory_space<vmem>>, vector<16xi32>,
      %get3A_78 = arith.index_cast %scan3A_51 : i32 to index
      %get3A_79 = arith.constant 16 : index
      %get3A_80 = tpu.vector_load %arg12[%get3A_78, %get3A_79] {strides = array<i32>} : memref<81x128xi32, #tpu.memory_space<vmem>>, vector<16xi32>,
      %mul3A_81 = arith.constant 128 : i32
      %mul3A_82 = arith.muli %scan3A_51, %mul3A_81 : i32
      %add3A_83 = arith.constant 16 : i32
      %add3A_84 = arith.addi %mul3A_82, %add3A_83 : i32
      %gather3A_85 = tpu.vector_load_idx %arg14[%get3A_77] : memref<10240xf32, #tpu.memory_space<vmem>>[vector<16xi32>], vector<16xf32>,
      %gather3A_86 = tpu.vector_load_idx %arg15[%get3A_80] : memref<10240xf32, #tpu.memory_space<vmem>>[vector<16xi32>], vector<16xf32>,
      %add3A_87 = arith.addf %gather3A_85, %gather3A_86 : vector<16xf32>
      %get3A_88 = arith.index_cast %add3A_84 : i32 to index
      %get3A_89 = tpu.vector_load %arg13[%get3A_88] {strides = array<i32>} : memref<10368xf32, #tpu.memory_space<vmem>>, vector<16xf32>,
      %mul3A_90 = arith.mulf %get3A_89, %get3A_20 : vector<16xf32>
      %add3A_91 = arith.addf %add3A_87, %mul3A_90 : vector<16xf32>
      %gt3A_92 = arith.constant 0.000000e+00 : f32
      %gt3A_93 = vector.broadcast %gt3A_92 : f32 to vector<16xf32>
      %gt3A_94 = arith.cmpf ogt, %add3A_91, %gt3A_93 : vector<16xf32>
      %mul3A_95 = arith.constant 2.000000e-01 : f32
      %mul3A_96 = vector.broadcast %mul3A_95 : f32 to vector<16xf32>
      %mul3A_97 = arith.mulf %mul3A_96, %add3A_91 : vector<16xf32>
      %select_n3A_98 = arith.select %gt3A_94, %add3A_91, %mul3A_97 : vector<16xi1>, vector<16xf32>
      %exp3A_99 = math.exp %select_n3A_98 : vector<16xf32>
      %swap3A_100 = arith.index_cast %add3A_84 : i32 to index
      %swap3A_101 = tpu.vector_load %arg13[%swap3A_100] {strides = array<i32>} : memref<10368xf32, #tpu.memory_space<vmem>>, vector<16xf32>,
      tpu.vector_store %arg13[%swap3A_100], %exp3A_99 {strides = array<i32>} : memref<10368xf32, #tpu.memory_space<vmem>>, vector<16xf32>,
      %get3A_102 = arith.index_cast %scan3A_51 : i32 to index
      %get3A_103 = arith.constant 32 : index
      %get3A_104 = tpu.vector_load %arg11[%get3A_102, %get3A_103] {strides = array<i32>} : memref<81x128xi32, #tpu.memory_space<vmem>>, vector<16xi32>,
      %get3A_105 = arith.index_cast %scan3A_51 : i32 to index
      %get3A_106 = arith.constant 32 : index
      %get3A_107 = tpu.vector_load %arg12[%get3A_105, %get3A_106] {strides = array<i32>} : memref<81x128xi32, #tpu.memory_space<vmem>>, vector<16xi32>,
      %mul3A_108 = arith.constant 128 : i32
      %mul3A_109 = arith.muli %scan3A_51, %mul3A_108 : i32
      %add3A_110 = arith.constant 32 : i32
      %add3A_111 = arith.addi %mul3A_109, %add3A_110 : i32
      %gather3A_112 = tpu.vector_load_idx %arg14[%get3A_104] : memref<10240xf32, #tpu.memory_space<vmem>>[vector<16xi32>], vector<16xf32>,
      %gather3A_113 = tpu.vector_load_idx %arg15[%get3A_107] : memref<10240xf32, #tpu.memory_space<vmem>>[vector<16xi32>], vector<16xf32>,
      %add3A_114 = arith.addf %gather3A_112, %gather3A_113 : vector<16xf32>
      %get3A_115 = arith.index_cast %add3A_111 : i32 to index
      %get3A_116 = tpu.vector_load %arg13[%get3A_115] {strides = array<i32>} : memref<10368xf32, #tpu.memory_space<vmem>>, vector<16xf32>,
      %mul3A_117 = arith.mulf %get3A_116, %get3A_20 : vector<16xf32>
      %add3A_118 = arith.addf %add3A_114, %mul3A_117 : vector<16xf32>
      %gt3A_119 = arith.constant 0.000000e+00 : f32
      %gt3A_120 = vector.broadcast %gt3A_119 : f32 to vector<16xf32>
      %gt3A_121 = arith.cmpf ogt, %add3A_118, %gt3A_120 : vector<16xf32>
      %mul3A_122 = arith.constant 2.000000e-01 : f32
      %mul3A_123 = vector.broadcast %mul3A_122 : f32 to vector<16xf32>
      %mul3A_124 = arith.mulf %mul3A_123, %add3A_118 : vector<16xf32>
      %select_n3A_125 = arith.select %gt3A_121, %add3A_118, %mul3A_124 : vector<16xi1>, vector<16xf32>
      %exp3A_126 = math.exp %select_n3A_125 : vector<16xf32>
      %swap3A_127 = arith.index_cast %add3A_111 : i32 to index
      %swap3A_128 = tpu.vector_load %arg13[%swap3A_127] {strides = array<i32>} : memref<10368xf32, #tpu.memory_space<vmem>>, vector<16xf32>,
      tpu.vector_store %arg13[%swap3A_127], %exp3A_126 {strides = array<i32>} : memref<10368xf32, #tpu.memory_space<vmem>>, vector<16xf32>,
      %get3A_129 = arith.index_cast %scan3A_51 : i32 to index
      %get3A_130 = arith.constant 48 : index
      %get3A_131 = tpu.vector_load %arg11[%get3A_129, %get3A_130] {strides = array<i32>} : memref<81x128xi32, #tpu.memory_space<vmem>>, vector<16xi32>,
      %get3A_132 = arith.index_cast %scan3A_51 : i32 to index
      %get3A_133 = arith.constant 48 : index
      %get3A_134 = tpu.vector_load %arg12[%get3A_132, %get3A_133] {strides = array<i32>} : memref<81x128xi32, #tpu.memory_space<vmem>>, vector<16xi32>,
      %mul3A_135 = arith.constant 128 : i32
      %mul3A_136 = arith.muli %scan3A_51, %mul3A_135 : i32
      %add3A_137 = arith.constant 48 : i32
      %add3A_138 = arith.addi %mul3A_136, %add3A_137 : i32
      %gather3A_139 = tpu.vector_load_idx %arg14[%get3A_131] : memref<10240xf32, #tpu.memory_space<vmem>>[vector<16xi32>], vector<16xf32>,
      %gather3A_140 = tpu.vector_load_idx %arg15[%get3A_134] : memref<10240xf32, #tpu.memory_space<vmem>>[vector<16xi32>], vector<16xf32>,
      %add3A_141 = arith.addf %gather3A_139, %gather3A_140 : vector<16xf32>
      %get3A_142 = arith.index_cast %add3A_138 : i32 to index
      %get3A_143 = tpu.vector_load %arg13[%get3A_142] {strides = array<i32>} : memref<10368xf32, #tpu.memory_space<vmem>>, vector<16xf32>,
      %mul3A_144 = arith.mulf %get3A_143, %get3A_20 : vector<16xf32>
      %add3A_145 = arith.addf %add3A_141, %mul3A_144 : vector<16xf32>
      %gt3A_146 = arith.constant 0.000000e+00 : f32
      %gt3A_147 = vector.broadcast %gt3A_146 : f32 to vector<16xf32>
      %gt3A_148 = arith.cmpf ogt, %add3A_145, %gt3A_147 : vector<16xf32>
      %mul3A_149 = arith.constant 2.000000e-01 : f32
      %mul3A_150 = vector.broadcast %mul3A_149 : f32 to vector<16xf32>
      %mul3A_151 = arith.mulf %mul3A_150, %add3A_145 : vector<16xf32>
      %select_n3A_152 = arith.select %gt3A_148, %add3A_145, %mul3A_151 : vector<16xi1>, vector<16xf32>
      %exp3A_153 = math.exp %select_n3A_152 : vector<16xf32>
      %swap3A_154 = arith.index_cast %add3A_138 : i32 to index
      %swap3A_155 = tpu.vector_load %arg13[%swap3A_154] {strides = array<i32>} : memref<10368xf32, #tpu.memory_space<vmem>>, vector<16xf32>,
      tpu.vector_store %arg13[%swap3A_154], %exp3A_153 {strides = array<i32>} : memref<10368xf32, #tpu.memory_space<vmem>>, vector<16xf32>,
      %get3A_156 = arith.index_cast %scan3A_51 : i32 to index
      %get3A_157 = arith.constant 64 : index
      %get3A_158 = tpu.vector_load %arg11[%get3A_156, %get3A_157] {strides = array<i32>} : memref<81x128xi32, #tpu.memory_space<vmem>>, vector<16xi32>,
      %get3A_159 = arith.index_cast %scan3A_51 : i32 to index
      %get3A_160 = arith.constant 64 : index
      %get3A_161 = tpu.vector_load %arg12[%get3A_159, %get3A_160] {strides = array<i32>} : memref<81x128xi32, #tpu.memory_space<vmem>>, vector<16xi32>,
      %mul3A_162 = arith.constant 128 : i32
      %mul3A_163 = arith.muli %scan3A_51, %mul3A_162 : i32
      %add3A_164 = arith.constant 64 : i32
      %add3A_165 = arith.addi %mul3A_163, %add3A_164 : i32
      %gather3A_166 = tpu.vector_load_idx %arg14[%get3A_158] : memref<10240xf32, #tpu.memory_space<vmem>>[vector<16xi32>], vector<16xf32>,
      %gather3A_167 = tpu.vector_load_idx %arg15[%get3A_161] : memref<10240xf32, #tpu.memory_space<vmem>>[vector<16xi32>], vector<16xf32>,
      %add3A_168 = arith.addf %gather3A_166, %gather3A_167 : vector<16xf32>
      %get3A_169 = arith.index_cast %add3A_165 : i32 to index
      %get3A_170 = tpu.vector_load %arg13[%get3A_169] {strides = array<i32>} : memref<10368xf32, #tpu.memory_space<vmem>>, vector<16xf32>,
      %mul3A_171 = arith.mulf %get3A_170, %get3A_20 : vector<16xf32>
      %add3A_172 = arith.addf %add3A_168, %mul3A_171 : vector<16xf32>
      %gt3A_173 = arith.constant 0.000000e+00 : f32
      %gt3A_174 = vector.broadcast %gt3A_173 : f32 to vector<16xf32>
      %gt3A_175 = arith.cmpf ogt, %add3A_172, %gt3A_174 : vector<16xf32>
      %mul3A_176 = arith.constant 2.000000e-01 : f32
      %mul3A_177 = vector.broadcast %mul3A_176 : f32 to vector<16xf32>
      %mul3A_178 = arith.mulf %mul3A_177, %add3A_172 : vector<16xf32>
      %select_n3A_179 = arith.select %gt3A_175, %add3A_172, %mul3A_178 : vector<16xi1>, vector<16xf32>
      %exp3A_180 = math.exp %select_n3A_179 : vector<16xf32>
      %swap3A_181 = arith.index_cast %add3A_165 : i32 to index
      %swap3A_182 = tpu.vector_load %arg13[%swap3A_181] {strides = array<i32>} : memref<10368xf32, #tpu.memory_space<vmem>>, vector<16xf32>,
      tpu.vector_store %arg13[%swap3A_181], %exp3A_180 {strides = array<i32>} : memref<10368xf32, #tpu.memory_space<vmem>>, vector<16xf32>,
      %get3A_183 = arith.index_cast %scan3A_51 : i32 to index
      %get3A_184 = arith.constant 80 : index
      %get3A_185 = tpu.vector_load %arg11[%get3A_183, %get3A_184] {strides = array<i32>} : memref<81x128xi32, #tpu.memory_space<vmem>>, vector<16xi32>,
      %get3A_186 = arith.index_cast %scan3A_51 : i32 to index
      %get3A_187 = arith.constant 80 : index
      %get3A_188 = tpu.vector_load %arg12[%get3A_186, %get3A_187] {strides = array<i32>} : memref<81x128xi32, #tpu.memory_space<vmem>>, vector<16xi32>,
      %mul3A_189 = arith.constant 128 : i32
      %mul3A_190 = arith.muli %scan3A_51, %mul3A_189 : i32
      %add3A_191 = arith.constant 80 : i32
      %add3A_192 = arith.addi %mul3A_190, %add3A_191 : i32
      %gather3A_193 = tpu.vector_load_idx %arg14[%get3A_185] : memref<10240xf32, #tpu.memory_space<vmem>>[vector<16xi32>], vector<16xf32>,
      %gather3A_194 = tpu.vector_load_idx %arg15[%get3A_188] : memref<10240xf32, #tpu.memory_space<vmem>>[vector<16xi32>], vector<16xf32>,
      %add3A_195 = arith.addf %gather3A_193, %gather3A_194 : vector<16xf32>
      %get3A_196 = arith.index_cast %add3A_192 : i32 to index
      %get3A_197 = tpu.vector_load %arg13[%get3A_196] {strides = array<i32>} : memref<10368xf32, #tpu.memory_space<vmem>>, vector<16xf32>,
      %mul3A_198 = arith.mulf %get3A_197, %get3A_20 : vector<16xf32>
      %add3A_199 = arith.addf %add3A_195, %mul3A_198 : vector<16xf32>
      %gt3A_200 = arith.constant 0.000000e+00 : f32
      %gt3A_201 = vector.broadcast %gt3A_200 : f32 to vector<16xf32>
      %gt3A_202 = arith.cmpf ogt, %add3A_199, %gt3A_201 : vector<16xf32>
      %mul3A_203 = arith.constant 2.000000e-01 : f32
      %mul3A_204 = vector.broadcast %mul3A_203 : f32 to vector<16xf32>
      %mul3A_205 = arith.mulf %mul3A_204, %add3A_199 : vector<16xf32>
      %select_n3A_206 = arith.select %gt3A_202, %add3A_199, %mul3A_205 : vector<16xi1>, vector<16xf32>
      %exp3A_207 = math.exp %select_n3A_206 : vector<16xf32>
      %swap3A_208 = arith.index_cast %add3A_192 : i32 to index
      %swap3A_209 = tpu.vector_load %arg13[%swap3A_208] {strides = array<i32>} : memref<10368xf32, #tpu.memory_space<vmem>>, vector<16xf32>,
      tpu.vector_store %arg13[%swap3A_208], %exp3A_207 {strides = array<i32>} : memref<10368xf32, #tpu.memory_space<vmem>>, vector<16xf32>,
      %get3A_210 = arith.index_cast %scan3A_51 : i32 to index
      %get3A_211 = arith.constant 96 : index
      %get3A_212 = tpu.vector_load %arg11[%get3A_210, %get3A_211] {strides = array<i32>} : memref<81x128xi32, #tpu.memory_space<vmem>>, vector<16xi32>,
      %get3A_213 = arith.index_cast %scan3A_51 : i32 to index
      %get3A_214 = arith.constant 96 : index
      %get3A_215 = tpu.vector_load %arg12[%get3A_213, %get3A_214] {strides = array<i32>} : memref<81x128xi32, #tpu.memory_space<vmem>>, vector<16xi32>,
      %mul3A_216 = arith.constant 128 : i32
      %mul3A_217 = arith.muli %scan3A_51, %mul3A_216 : i32
      %add3A_218 = arith.constant 96 : i32
      %add3A_219 = arith.addi %mul3A_217, %add3A_218 : i32
      %gather3A_220 = tpu.vector_load_idx %arg14[%get3A_212] : memref<10240xf32, #tpu.memory_space<vmem>>[vector<16xi32>], vector<16xf32>,
      %gather3A_221 = tpu.vector_load_idx %arg15[%get3A_215] : memref<10240xf32, #tpu.memory_space<vmem>>[vector<16xi32>], vector<16xf32>,
      %add3A_222 = arith.addf %gather3A_220, %gather3A_221 : vector<16xf32>
      %get3A_223 = arith.index_cast %add3A_219 : i32 to index
      %get3A_224 = tpu.vector_load %arg13[%get3A_223] {strides = array<i32>} : memref<10368xf32, #tpu.memory_space<vmem>>, vector<16xf32>,
      %mul3A_225 = arith.mulf %get3A_224, %get3A_20 : vector<16xf32>
      %add3A_226 = arith.addf %add3A_222, %mul3A_225 : vector<16xf32>
      %gt3A_227 = arith.constant 0.000000e+00 : f32
      %gt3A_228 = vector.broadcast %gt3A_227 : f32 to vector<16xf32>
      %gt3A_229 = arith.cmpf ogt, %add3A_226, %gt3A_228 : vector<16xf32>
      %mul3A_230 = arith.constant 2.000000e-01 : f32
      %mul3A_231 = vector.broadcast %mul3A_230 : f32 to vector<16xf32>
      %mul3A_232 = arith.mulf %mul3A_231, %add3A_226 : vector<16xf32>
      %select_n3A_233 = arith.select %gt3A_229, %add3A_226, %mul3A_232 : vector<16xi1>, vector<16xf32>
      %exp3A_234 = math.exp %select_n3A_233 : vector<16xf32>
      %swap3A_235 = arith.index_cast %add3A_219 : i32 to index
      %swap3A_236 = tpu.vector_load %arg13[%swap3A_235] {strides = array<i32>} : memref<10368xf32, #tpu.memory_space<vmem>>, vector<16xf32>,
      tpu.vector_store %arg13[%swap3A_235], %exp3A_234 {strides = array<i32>} : memref<10368xf32, #tpu.memory_space<vmem>>, vector<16xf32>,
      %get3A_237 = arith.index_cast %scan3A_51 : i32 to index
      %get3A_238 = arith.constant 112 : index
      %get3A_239 = tpu.vector_load %arg11[%get3A_237, %get3A_238] {strides = array<i32>} : memref<81x128xi32, #tpu.memory_space<vmem>>, vector<16xi32>,
      %get3A_240 = arith.index_cast %scan3A_51 : i32 to index
      %get3A_241 = arith.constant 112 : index
      %get3A_242 = tpu.vector_load %arg12[%get3A_240, %get3A_241] {strides = array<i32>} : memref<81x128xi32, #tpu.memory_space<vmem>>, vector<16xi32>,
      %mul3A_243 = arith.constant 128 : i32
      %mul3A_244 = arith.muli %scan3A_51, %mul3A_243 : i32
      %add3A_245 = arith.constant 112 : i32
      %add3A_246 = arith.addi %mul3A_244, %add3A_245 : i32
      %gather3A_247 = tpu.vector_load_idx %arg14[%get3A_239] : memref<10240xf32, #tpu.memory_space<vmem>>[vector<16xi32>], vector<16xf32>,
      %gather3A_248 = tpu.vector_load_idx %arg15[%get3A_242] : memref<10240xf32, #tpu.memory_space<vmem>>[vector<16xi32>], vector<16xf32>,
      %add3A_249 = arith.addf %gather3A_247, %gather3A_248 : vector<16xf32>
      %get3A_250 = arith.index_cast %add3A_246 : i32 to index
      %get3A_251 = tpu.vector_load %arg13[%get3A_250] {strides = array<i32>} : memref<10368xf32, #tpu.memory_space<vmem>>, vector<16xf32>,
      %mul3A_252 = arith.mulf %get3A_251, %get3A_20 : vector<16xf32>
      %add3A_253 = arith.addf %add3A_249, %mul3A_252 : vector<16xf32>
      %gt3A_254 = arith.constant 0.000000e+00 : f32
      %gt3A_255 = vector.broadcast %gt3A_254 : f32 to vector<16xf32>
      %gt3A_256 = arith.cmpf ogt, %add3A_253, %gt3A_255 : vector<16xf32>
      %mul3A_257 = arith.constant 2.000000e-01 : f32
      %mul3A_258 = vector.broadcast %mul3A_257 : f32 to vector<16xf32>
      %mul3A_259 = arith.mulf %mul3A_258, %add3A_253 : vector<16xf32>
      %select_n3A_260 = arith.select %gt3A_256, %add3A_253, %mul3A_259 : vector<16xi1>, vector<16xf32>
      %exp3A_261 = math.exp %select_n3A_260 : vector<16xf32>
      %swap3A_262 = arith.index_cast %add3A_246 : i32 to index
      %swap3A_263 = tpu.vector_load %arg13[%swap3A_262] {strides = array<i32>} : memref<10368xf32, #tpu.memory_space<vmem>>, vector<16xf32>,
      tpu.vector_store %arg13[%swap3A_262], %exp3A_261 {strides = array<i32>} : memref<10368xf32, #tpu.memory_space<vmem>>, vector<16xf32>,
      %scan3A_264 = arith.constant 0 : i32
      scf.yield %scan3A_264 : i32
    }
    %scan3A_27 = arith.constant 81 : i32
    %barrier3A = arith.constant 0 : index
    tpu.barrier barrier_id(%barrier3A)
    %scan3A_28 = arith.constant 0 : i32
    %scan3A_29 = arith.constant 0 : i32
    %scan3A_30 = arith.constant 81 : i32
    %scan3A_31 = arith.addi %scan3A_29, %scan3A_30 : i32
    %scan3A_32 = arith.constant 1 : i32
    %scan3A_33 = scf.for %scan3A_51 = %scan3A_29 to %scan3A_31 step %scan3A_32 iter_args(%scan3A_52 = %scan3A_28) -> (i32)  : i32 {
      %mul3A_53 = arith.constant 128 : i32
      %mul3A_54 = arith.muli %scan3A_51, %mul3A_53 : i32
      "tpu.region"() ({
        %run_scoped3A = tpu.sem_alloc : memref<!tpu.dma_semaphore, #tpu.memory_space<semaphore_mem>>
        %dma_start3A = tpu.memref_slice %arg13[%mul3A_54] : memref<10368xf32, #tpu.memory_space<vmem>> -> memref<128xf32, #tpu.memory_space<vmem>>
        %dma_start3A_56 = arith.constant 0 : i32
        %dma_start3A_57 = tpu.memref_slice %arg12[%scan3A_51, %dma_start3A_56] : memref<81x128xi32, #tpu.memory_space<vmem>> -> memref<1x128xi32, #tpu.memory_space<vmem>>
        %dma_start3A_58 = tpu.memref_squeeze %dma_start3A_57 : memref<1x128xi32, #tpu.memory_space<vmem>> -> memref<128xi32, #tpu.memory_space<vmem>>
        %dma_start3A_59 = arith.constant 0 : i32
        %dma_start3A_60 = tpu.memref_slice %arg21[%dma_start3A_59] : memref<10240xf32, #tpu.memory_space<vmem_shared>> -> memref<10240xf32, #tpu.memory_space<vmem_shared>>
        tpu.enqueue_indirect_dma source(%dma_start3A : memref<128xf32, #tpu.memory_space<vmem>>) target(%dma_start3A_60 : memref<10240xf32, #tpu.memory_space<vmem_shared>>) offsets(%dma_start3A_58 : memref<128xi32, #tpu.memory_space<vmem>>) semaphore(%run_scoped3A : memref<!tpu.dma_semaphore, #tpu.memory_space<semaphore_mem>>) {add = true}
        %dma_wait3A = tpu.memref_slice %arg13[%mul3A_54] : memref<10368xf32, #tpu.memory_space<vmem>> -> memref<128xf32, #tpu.memory_space<vmem>>
        %dma_wait3A_61 = arith.constant 0 : i32
        %dma_wait3A_62 = tpu.memref_slice %arg12[%scan3A_51, %dma_wait3A_61] : memref<81x128xi32, #tpu.memory_space<vmem>> -> memref<1x128xi32, #tpu.memory_space<vmem>>
        %dma_wait3A_63 = tpu.memref_squeeze %dma_wait3A_62 : memref<1x128xi32, #tpu.memory_space<vmem>> -> memref<128xi32, #tpu.memory_space<vmem>>
        %dma_wait3A_64 = arith.constant 0 : i32
        %dma_wait3A_65 = tpu.memref_slice %arg21[%dma_wait3A_64] : memref<10240xf32, #tpu.memory_space<vmem_shared>> -> memref<10240xf32, #tpu.memory_space<vmem_shared>>
        tpu.wait_indirect_dma semaphore(%run_scoped3A : memref<!tpu.dma_semaphore, #tpu.memory_space<semaphore_mem>>) src(%dma_wait3A : memref<128xf32, #tpu.memory_space<vmem>>) dst(%dma_wait3A_65 : memref<10240xf32, #tpu.memory_space<vmem_shared>>)
        tpu.yield
      }) : () -> ()
      %scan3A_55 = arith.constant 0 : i32
      scf.yield %scan3A_55 : i32
    }
    %scan3A_34 = arith.constant 81 : i32
    %scan3A_35 = arith.constant 0 : i32
    %scan3A_36 = arith.constant 0 : i32
    %scan3A_37 = arith.constant 81 : i32
    %scan3A_38 = arith.addi %scan3A_36, %scan3A_37 : i32
    %scan3A_39 = arith.constant 1 : i32
    %scan3A_40 = scf.for %scan3A_51 = %scan3A_36 to %scan3A_38 step %scan3A_39 iter_args(%scan3A_52 = %scan3A_35) -> (i32)  : i32 {
      %dma_start3A = arith.constant 0 : i32
      %dma_start3A_53 = tpu.memref_slice %arg11[%scan3A_51, %dma_start3A] : memref<81x128xi32, #tpu.memory_space<vmem>> -> memref<1x128xi32, #tpu.memory_space<vmem>>
      %dma_start3A_54 = tpu.memref_squeeze %dma_start3A_53 : memref<1x128xi32, #tpu.memory_space<vmem>> -> memref<128xi32, #tpu.memory_space<vmem>>
      %dma_start3A_55 = arith.constant 0 : i32
      %dma_start3A_56 = arith.constant 0 : i32
      %dma_start3A_57 = tpu.memref_slice %arg7[%dma_start3A_55, %dma_start3A_56] : memref<10240x16xf32, #tpu.memory_space<hbm>> -> memref<10240x16xf32, #tpu.memory_space<hbm>>
      tpu.enqueue_indirect_dma source(%dma_start3A_57 : memref<10240x16xf32, #tpu.memory_space<hbm>>) target(%arg16 : memref<128x16xf32, #tpu.memory_space<vmem>>) offsets(%dma_start3A_54 : memref<128xi32, #tpu.memory_space<vmem>>) semaphore(%arg23 : memref<!tpu.dma_semaphore, #tpu.memory_space<semaphore_mem>>)
      %dma_wait3A = arith.constant 0 : i32
      %dma_wait3A_58 = tpu.memref_slice %arg11[%scan3A_51, %dma_wait3A] : memref<81x128xi32, #tpu.memory_space<vmem>> -> memref<1x128xi32, #tpu.memory_space<vmem>>
      %dma_wait3A_59 = tpu.memref_squeeze %dma_wait3A_58 : memref<1x128xi32, #tpu.memory_space<vmem>> -> memref<128xi32, #tpu.memory_space<vmem>>
      %dma_wait3A_60 = arith.constant 0 : i32
      %dma_wait3A_61 = arith.constant 0 : i32
      %dma_wait3A_62 = tpu.memref_slice %arg7[%dma_wait3A_60, %dma_wait3A_61] : memref<10240x16xf32, #tpu.memory_space<hbm>> -> memref<10240x16xf32, #tpu.memory_space<hbm>>
      tpu.wait_indirect_dma semaphore(%arg23 : memref<!tpu.dma_semaphore, #tpu.memory_space<semaphore_mem>>) src(%dma_wait3A_62 : memref<10240x16xf32, #tpu.memory_space<hbm>>) dst(%arg16 : memref<128x16xf32, #tpu.memory_space<vmem>>)
      %scan3A_63 = arith.constant 0 : i32
      %scan3A_64 = arith.constant 0 : i32
      %scan3A_65 = arith.constant 8 : i32
      %scan3A_66 = arith.addi %scan3A_64, %scan3A_65 : i32
      %scan3A_67 = arith.constant 1 : i32
      %scan3A_68 = scf.for %scan3A_71 = %scan3A_64 to %scan3A_66 step %scan3A_67 iter_args(%scan3A_72 = %scan3A_63) -> (i32)  : i32 {
        %mul3A_73 = arith.constant 128 : i32
        %mul3A_74 = arith.muli %scan3A_51, %mul3A_73 : i32
        %mul3A_75 = arith.constant 16 : i32
        %mul3A_76 = arith.muli %scan3A_71, %mul3A_75 : i32
        %add3A_77 = arith.addi %mul3A_74, %mul3A_76 : i32
        %get3A_78 = arith.index_cast %add3A_77 : i32 to index
        %get3A_79 = tpu.vector_load %arg13[%get3A_78] {strides = array<i32>} : memref<10368xf32, #tpu.memory_space<vmem>>, vector<16xf32>,
        %mul3A_80 = arith.constant 16 : i32
        %mul3A_81 = arith.muli %scan3A_71, %mul3A_80 : i32
        %add3A_82 = arith.constant 0 : i32
        %add3A_83 = arith.addi %mul3A_81, %add3A_82 : i32
        %get3A_84 = arith.index_cast %add3A_83 : i32 to index
        %get3A_85 = arith.constant 0 : index
        %get3A_86 = tpu.vector_load %arg16[%get3A_84, %get3A_85] {strides = array<i32>} : memref<128x16xf32, #tpu.memory_space<vmem>>, vector<16xf32>,
        %slice3A = vector.extract_strided_slice %get3A_79 {offsets = [0], sizes = [1], strides = [1]} : vector<16xf32> to vector<1xf32>
        %squeeze3A = vector.extract %slice3A[0] : f32 from vector<1xf32>
        %mul3A_87 = vector.broadcast %squeeze3A : f32 to vector<16xf32>
        %mul3A_88 = arith.mulf %get3A_86, %mul3A_87 : vector<16xf32>
        %add3A_89 = arith.constant 0 : i32
        %add3A_90 = arith.addi %mul3A_81, %add3A_89 : i32
        %swap3A = arith.index_cast %add3A_90 : i32 to index
        %swap3A_91 = arith.constant 0 : index
        %swap3A_92 = tpu.vector_load %arg16[%swap3A, %swap3A_91] {strides = array<i32>} : memref<128x16xf32, #tpu.memory_space<vmem>>, vector<16xf32>,
        tpu.vector_store %arg16[%swap3A, %swap3A_91], %mul3A_88 {strides = array<i32>} : memref<128x16xf32, #tpu.memory_space<vmem>>, vector<16xf32>,
        %add3A_93 = arith.constant 1 : i32
        %add3A_94 = arith.addi %mul3A_81, %add3A_93 : i32
        %get3A_95 = arith.index_cast %add3A_94 : i32 to index
        %get3A_96 = arith.constant 0 : index
        %get3A_97 = tpu.vector_load %arg16[%get3A_95, %get3A_96] {strides = array<i32>} : memref<128x16xf32, #tpu.memory_space<vmem>>, vector<16xf32>,
        %slice3A_98 = vector.extract_strided_slice %get3A_79 {offsets = [1], sizes = [1], strides = [1]} : vector<16xf32> to vector<1xf32>
        %squeeze3A_99 = vector.extract %slice3A_98[0] : f32 from vector<1xf32>
        %mul3A_100 = vector.broadcast %squeeze3A_99 : f32 to vector<16xf32>
        %mul3A_101 = arith.mulf %get3A_97, %mul3A_100 : vector<16xf32>
        %add3A_102 = arith.constant 1 : i32
        %add3A_103 = arith.addi %mul3A_81, %add3A_102 : i32
        %swap3A_104 = arith.index_cast %add3A_103 : i32 to index
        %swap3A_105 = arith.constant 0 : index
        %swap3A_106 = tpu.vector_load %arg16[%swap3A_104, %swap3A_105] {strides = array<i32>} : memref<128x16xf32, #tpu.memory_space<vmem>>, vector<16xf32>,
        tpu.vector_store %arg16[%swap3A_104, %swap3A_105], %mul3A_101 {strides = array<i32>} : memref<128x16xf32, #tpu.memory_space<vmem>>, vector<16xf32>,
        %add3A_107 = arith.constant 2 : i32
        %add3A_108 = arith.addi %mul3A_81, %add3A_107 : i32
        %get3A_109 = arith.index_cast %add3A_108 : i32 to index
        %get3A_110 = arith.constant 0 : index
        %get3A_111 = tpu.vector_load %arg16[%get3A_109, %get3A_110] {strides = array<i32>} : memref<128x16xf32, #tpu.memory_space<vmem>>, vector<16xf32>,
        %slice3A_112 = vector.extract_strided_slice %get3A_79 {offsets = [2], sizes = [1], strides = [1]} : vector<16xf32> to vector<1xf32>
        %squeeze3A_113 = vector.extract %slice3A_112[0] : f32 from vector<1xf32>
        %mul3A_114 = vector.broadcast %squeeze3A_113 : f32 to vector<16xf32>
        %mul3A_115 = arith.mulf %get3A_111, %mul3A_114 : vector<16xf32>
        %add3A_116 = arith.constant 2 : i32
        %add3A_117 = arith.addi %mul3A_81, %add3A_116 : i32
        %swap3A_118 = arith.index_cast %add3A_117 : i32 to index
        %swap3A_119 = arith.constant 0 : index
        %swap3A_120 = tpu.vector_load %arg16[%swap3A_118, %swap3A_119] {strides = array<i32>} : memref<128x16xf32, #tpu.memory_space<vmem>>, vector<16xf32>,
        tpu.vector_store %arg16[%swap3A_118, %swap3A_119], %mul3A_115 {strides = array<i32>} : memref<128x16xf32, #tpu.memory_space<vmem>>, vector<16xf32>,
        %add3A_121 = arith.constant 3 : i32
        %add3A_122 = arith.addi %mul3A_81, %add3A_121 : i32
        %get3A_123 = arith.index_cast %add3A_122 : i32 to index
        %get3A_124 = arith.constant 0 : index
        %get3A_125 = tpu.vector_load %arg16[%get3A_123, %get3A_124] {strides = array<i32>} : memref<128x16xf32, #tpu.memory_space<vmem>>, vector<16xf32>,
        %slice3A_126 = vector.extract_strided_slice %get3A_79 {offsets = [3], sizes = [1], strides = [1]} : vector<16xf32> to vector<1xf32>
        %squeeze3A_127 = vector.extract %slice3A_126[0] : f32 from vector<1xf32>
        %mul3A_128 = vector.broadcast %squeeze3A_127 : f32 to vector<16xf32>
        %mul3A_129 = arith.mulf %get3A_125, %mul3A_128 : vector<16xf32>
        %add3A_130 = arith.constant 3 : i32
        %add3A_131 = arith.addi %mul3A_81, %add3A_130 : i32
        %swap3A_132 = arith.index_cast %add3A_131 : i32 to index
        %swap3A_133 = arith.constant 0 : index
        %swap3A_134 = tpu.vector_load %arg16[%swap3A_132, %swap3A_133] {strides = array<i32>} : memref<128x16xf32, #tpu.memory_space<vmem>>, vector<16xf32>,
        tpu.vector_store %arg16[%swap3A_132, %swap3A_133], %mul3A_129 {strides = array<i32>} : memref<128x16xf32, #tpu.memory_space<vmem>>, vector<16xf32>,
        %add3A_135 = arith.constant 4 : i32
        %add3A_136 = arith.addi %mul3A_81, %add3A_135 : i32
        %get3A_137 = arith.index_cast %add3A_136 : i32 to index
        %get3A_138 = arith.constant 0 : index
        %get3A_139 = tpu.vector_load %arg16[%get3A_137, %get3A_138] {strides = array<i32>} : memref<128x16xf32, #tpu.memory_space<vmem>>, vector<16xf32>,
        %slice3A_140 = vector.extract_strided_slice %get3A_79 {offsets = [4], sizes = [1], strides = [1]} : vector<16xf32> to vector<1xf32>
        %squeeze3A_141 = vector.extract %slice3A_140[0] : f32 from vector<1xf32>
        %mul3A_142 = vector.broadcast %squeeze3A_141 : f32 to vector<16xf32>
        %mul3A_143 = arith.mulf %get3A_139, %mul3A_142 : vector<16xf32>
        %add3A_144 = arith.constant 4 : i32
        %add3A_145 = arith.addi %mul3A_81, %add3A_144 : i32
        %swap3A_146 = arith.index_cast %add3A_145 : i32 to index
        %swap3A_147 = arith.constant 0 : index
        %swap3A_148 = tpu.vector_load %arg16[%swap3A_146, %swap3A_147] {strides = array<i32>} : memref<128x16xf32, #tpu.memory_space<vmem>>, vector<16xf32>,
        tpu.vector_store %arg16[%swap3A_146, %swap3A_147], %mul3A_143 {strides = array<i32>} : memref<128x16xf32, #tpu.memory_space<vmem>>, vector<16xf32>,
        %add3A_149 = arith.constant 5 : i32
        %add3A_150 = arith.addi %mul3A_81, %add3A_149 : i32
        %get3A_151 = arith.index_cast %add3A_150 : i32 to index
        %get3A_152 = arith.constant 0 : index
        %get3A_153 = tpu.vector_load %arg16[%get3A_151, %get3A_152] {strides = array<i32>} : memref<128x16xf32, #tpu.memory_space<vmem>>, vector<16xf32>,
        %slice3A_154 = vector.extract_strided_slice %get3A_79 {offsets = [5], sizes = [1], strides = [1]} : vector<16xf32> to vector<1xf32>
        %squeeze3A_155 = vector.extract %slice3A_154[0] : f32 from vector<1xf32>
        %mul3A_156 = vector.broadcast %squeeze3A_155 : f32 to vector<16xf32>
        %mul3A_157 = arith.mulf %get3A_153, %mul3A_156 : vector<16xf32>
        %add3A_158 = arith.constant 5 : i32
        %add3A_159 = arith.addi %mul3A_81, %add3A_158 : i32
        %swap3A_160 = arith.index_cast %add3A_159 : i32 to index
        %swap3A_161 = arith.constant 0 : index
        %swap3A_162 = tpu.vector_load %arg16[%swap3A_160, %swap3A_161] {strides = array<i32>} : memref<128x16xf32, #tpu.memory_space<vmem>>, vector<16xf32>,
        tpu.vector_store %arg16[%swap3A_160, %swap3A_161], %mul3A_157 {strides = array<i32>} : memref<128x16xf32, #tpu.memory_space<vmem>>, vector<16xf32>,
        %add3A_163 = arith.constant 6 : i32
        %add3A_164 = arith.addi %mul3A_81, %add3A_163 : i32
        %get3A_165 = arith.index_cast %add3A_164 : i32 to index
        %get3A_166 = arith.constant 0 : index
        %get3A_167 = tpu.vector_load %arg16[%get3A_165, %get3A_166] {strides = array<i32>} : memref<128x16xf32, #tpu.memory_space<vmem>>, vector<16xf32>,
        %slice3A_168 = vector.extract_strided_slice %get3A_79 {offsets = [6], sizes = [1], strides = [1]} : vector<16xf32> to vector<1xf32>
        %squeeze3A_169 = vector.extract %slice3A_168[0] : f32 from vector<1xf32>
        %mul3A_170 = vector.broadcast %squeeze3A_169 : f32 to vector<16xf32>
        %mul3A_171 = arith.mulf %get3A_167, %mul3A_170 : vector<16xf32>
        %add3A_172 = arith.constant 6 : i32
        %add3A_173 = arith.addi %mul3A_81, %add3A_172 : i32
        %swap3A_174 = arith.index_cast %add3A_173 : i32 to index
        %swap3A_175 = arith.constant 0 : index
        %swap3A_176 = tpu.vector_load %arg16[%swap3A_174, %swap3A_175] {strides = array<i32>} : memref<128x16xf32, #tpu.memory_space<vmem>>, vector<16xf32>,
        tpu.vector_store %arg16[%swap3A_174, %swap3A_175], %mul3A_171 {strides = array<i32>} : memref<128x16xf32, #tpu.memory_space<vmem>>, vector<16xf32>,
        %add3A_177 = arith.constant 7 : i32
        %add3A_178 = arith.addi %mul3A_81, %add3A_177 : i32
        %get3A_179 = arith.index_cast %add3A_178 : i32 to index
        %get3A_180 = arith.constant 0 : index
        %get3A_181 = tpu.vector_load %arg16[%get3A_179, %get3A_180] {strides = array<i32>} : memref<128x16xf32, #tpu.memory_space<vmem>>, vector<16xf32>,
        %slice3A_182 = vector.extract_strided_slice %get3A_79 {offsets = [7], sizes = [1], strides = [1]} : vector<16xf32> to vector<1xf32>
        %squeeze3A_183 = vector.extract %slice3A_182[0] : f32 from vector<1xf32>
        %mul3A_184 = vector.broadcast %squeeze3A_183 : f32 to vector<16xf32>
        %mul3A_185 = arith.mulf %get3A_181, %mul3A_184 : vector<16xf32>
        %add3A_186 = arith.constant 7 : i32
        %add3A_187 = arith.addi %mul3A_81, %add3A_186 : i32
        %swap3A_188 = arith.index_cast %add3A_187 : i32 to index
        %swap3A_189 = arith.constant 0 : index
        %swap3A_190 = tpu.vector_load %arg16[%swap3A_188, %swap3A_189] {strides = array<i32>} : memref<128x16xf32, #tpu.memory_space<vmem>>, vector<16xf32>,
        tpu.vector_store %arg16[%swap3A_188, %swap3A_189], %mul3A_185 {strides = array<i32>} : memref<128x16xf32, #tpu.memory_space<vmem>>, vector<16xf32>,
        %add3A_191 = arith.constant 8 : i32
        %add3A_192 = arith.addi %mul3A_81, %add3A_191 : i32
        %get3A_193 = arith.index_cast %add3A_192 : i32 to index
        %get3A_194 = arith.constant 0 : index
        %get3A_195 = tpu.vector_load %arg16[%get3A_193, %get3A_194] {strides = array<i32>} : memref<128x16xf32, #tpu.memory_space<vmem>>, vector<16xf32>,
        %slice3A_196 = vector.extract_strided_slice %get3A_79 {offsets = [8], sizes = [1], strides = [1]} : vector<16xf32> to vector<1xf32>
        %squeeze3A_197 = vector.extract %slice3A_196[0] : f32 from vector<1xf32>
        %mul3A_198 = vector.broadcast %squeeze3A_197 : f32 to vector<16xf32>
        %mul3A_199 = arith.mulf %get3A_195, %mul3A_198 : vector<16xf32>
        %add3A_200 = arith.constant 8 : i32
        %add3A_201 = arith.addi %mul3A_81, %add3A_200 : i32
        %swap3A_202 = arith.index_cast %add3A_201 : i32 to index
        %swap3A_203 = arith.constant 0 : index
        %swap3A_204 = tpu.vector_load %arg16[%swap3A_202, %swap3A_203] {strides = array<i32>} : memref<128x16xf32, #tpu.memory_space<vmem>>, vector<16xf32>,
        tpu.vector_store %arg16[%swap3A_202, %swap3A_203], %mul3A_199 {strides = array<i32>} : memref<128x16xf32, #tpu.memory_space<vmem>>, vector<16xf32>,
        %add3A_205 = arith.constant 9 : i32
        %add3A_206 = arith.addi %mul3A_81, %add3A_205 : i32
        %get3A_207 = arith.index_cast %add3A_206 : i32 to index
        %get3A_208 = arith.constant 0 : index
        %get3A_209 = tpu.vector_load %arg16[%get3A_207, %get3A_208] {strides = array<i32>} : memref<128x16xf32, #tpu.memory_space<vmem>>, vector<16xf32>,
        %slice3A_210 = vector.extract_strided_slice %get3A_79 {offsets = [9], sizes = [1], strides = [1]} : vector<16xf32> to vector<1xf32>
        %squeeze3A_211 = vector.extract %slice3A_210[0] : f32 from vector<1xf32>
        %mul3A_212 = vector.broadcast %squeeze3A_211 : f32 to vector<16xf32>
        %mul3A_213 = arith.mulf %get3A_209, %mul3A_212 : vector<16xf32>
        %add3A_214 = arith.constant 9 : i32
        %add3A_215 = arith.addi %mul3A_81, %add3A_214 : i32
        %swap3A_216 = arith.index_cast %add3A_215 : i32 to index
        %swap3A_217 = arith.constant 0 : index
        %swap3A_218 = tpu.vector_load %arg16[%swap3A_216, %swap3A_217] {strides = array<i32>} : memref<128x16xf32, #tpu.memory_space<vmem>>, vector<16xf32>,
        tpu.vector_store %arg16[%swap3A_216, %swap3A_217], %mul3A_213 {strides = array<i32>} : memref<128x16xf32, #tpu.memory_space<vmem>>, vector<16xf32>,
        %add3A_219 = arith.constant 10 : i32
        %add3A_220 = arith.addi %mul3A_81, %add3A_219 : i32
        %get3A_221 = arith.index_cast %add3A_220 : i32 to index
        %get3A_222 = arith.constant 0 : index
        %get3A_223 = tpu.vector_load %arg16[%get3A_221, %get3A_222] {strides = array<i32>} : memref<128x16xf32, #tpu.memory_space<vmem>>, vector<16xf32>,
        %slice3A_224 = vector.extract_strided_slice %get3A_79 {offsets = [10], sizes = [1], strides = [1]} : vector<16xf32> to vector<1xf32>
        %squeeze3A_225 = vector.extract %slice3A_224[0] : f32 from vector<1xf32>
        %mul3A_226 = vector.broadcast %squeeze3A_225 : f32 to vector<16xf32>
        %mul3A_227 = arith.mulf %get3A_223, %mul3A_226 : vector<16xf32>
        %add3A_228 = arith.constant 10 : i32
        %add3A_229 = arith.addi %mul3A_81, %add3A_228 : i32
        %swap3A_230 = arith.index_cast %add3A_229 : i32 to index
        %swap3A_231 = arith.constant 0 : index
        %swap3A_232 = tpu.vector_load %arg16[%swap3A_230, %swap3A_231] {strides = array<i32>} : memref<128x16xf32, #tpu.memory_space<vmem>>, vector<16xf32>,
        tpu.vector_store %arg16[%swap3A_230, %swap3A_231], %mul3A_227 {strides = array<i32>} : memref<128x16xf32, #tpu.memory_space<vmem>>, vector<16xf32>,
        %add3A_233 = arith.constant 11 : i32
        %add3A_234 = arith.addi %mul3A_81, %add3A_233 : i32
        %get3A_235 = arith.index_cast %add3A_234 : i32 to index
        %get3A_236 = arith.constant 0 : index
        %get3A_237 = tpu.vector_load %arg16[%get3A_235, %get3A_236] {strides = array<i32>} : memref<128x16xf32, #tpu.memory_space<vmem>>, vector<16xf32>,
        %slice3A_238 = vector.extract_strided_slice %get3A_79 {offsets = [11], sizes = [1], strides = [1]} : vector<16xf32> to vector<1xf32>
        %squeeze3A_239 = vector.extract %slice3A_238[0] : f32 from vector<1xf32>
        %mul3A_240 = vector.broadcast %squeeze3A_239 : f32 to vector<16xf32>
        %mul3A_241 = arith.mulf %get3A_237, %mul3A_240 : vector<16xf32>
        %add3A_242 = arith.constant 11 : i32
        %add3A_243 = arith.addi %mul3A_81, %add3A_242 : i32
        %swap3A_244 = arith.index_cast %add3A_243 : i32 to index
        %swap3A_245 = arith.constant 0 : index
        %swap3A_246 = tpu.vector_load %arg16[%swap3A_244, %swap3A_245] {strides = array<i32>} : memref<128x16xf32, #tpu.memory_space<vmem>>, vector<16xf32>,
        tpu.vector_store %arg16[%swap3A_244, %swap3A_245], %mul3A_241 {strides = array<i32>} : memref<128x16xf32, #tpu.memory_space<vmem>>, vector<16xf32>,
        %add3A_247 = arith.constant 12 : i32
        %add3A_248 = arith.addi %mul3A_81, %add3A_247 : i32
        %get3A_249 = arith.index_cast %add3A_248 : i32 to index
        %get3A_250 = arith.constant 0 : index
        %get3A_251 = tpu.vector_load %arg16[%get3A_249, %get3A_250] {strides = array<i32>} : memref<128x16xf32, #tpu.memory_space<vmem>>, vector<16xf32>,
        %slice3A_252 = vector.extract_strided_slice %get3A_79 {offsets = [12], sizes = [1], strides = [1]} : vector<16xf32> to vector<1xf32>
        %squeeze3A_253 = vector.extract %slice3A_252[0] : f32 from vector<1xf32>
        %mul3A_254 = vector.broadcast %squeeze3A_253 : f32 to vector<16xf32>
        %mul3A_255 = arith.mulf %get3A_251, %mul3A_254 : vector<16xf32>
        %add3A_256 = arith.constant 12 : i32
        %add3A_257 = arith.addi %mul3A_81, %add3A_256 : i32
        %swap3A_258 = arith.index_cast %add3A_257 : i32 to index
        %swap3A_259 = arith.constant 0 : index
        %swap3A_260 = tpu.vector_load %arg16[%swap3A_258, %swap3A_259] {strides = array<i32>} : memref<128x16xf32, #tpu.memory_space<vmem>>, vector<16xf32>,
        tpu.vector_store %arg16[%swap3A_258, %swap3A_259], %mul3A_255 {strides = array<i32>} : memref<128x16xf32, #tpu.memory_space<vmem>>, vector<16xf32>,
        %add3A_261 = arith.constant 13 : i32
        %add3A_262 = arith.addi %mul3A_81, %add3A_261 : i32
        %get3A_263 = arith.index_cast %add3A_262 : i32 to index
        %get3A_264 = arith.constant 0 : index
        %get3A_265 = tpu.vector_load %arg16[%get3A_263, %get3A_264] {strides = array<i32>} : memref<128x16xf32, #tpu.memory_space<vmem>>, vector<16xf32>,
        %slice3A_266 = vector.extract_strided_slice %get3A_79 {offsets = [13], sizes = [1], strides = [1]} : vector<16xf32> to vector<1xf32>
        %squeeze3A_267 = vector.extract %slice3A_266[0] : f32 from vector<1xf32>
        %mul3A_268 = vector.broadcast %squeeze3A_267 : f32 to vector<16xf32>
        %mul3A_269 = arith.mulf %get3A_265, %mul3A_268 : vector<16xf32>
        %add3A_270 = arith.constant 13 : i32
        %add3A_271 = arith.addi %mul3A_81, %add3A_270 : i32
        %swap3A_272 = arith.index_cast %add3A_271 : i32 to index
        %swap3A_273 = arith.constant 0 : index
        %swap3A_274 = tpu.vector_load %arg16[%swap3A_272, %swap3A_273] {strides = array<i32>} : memref<128x16xf32, #tpu.memory_space<vmem>>, vector<16xf32>,
        tpu.vector_store %arg16[%swap3A_272, %swap3A_273], %mul3A_269 {strides = array<i32>} : memref<128x16xf32, #tpu.memory_space<vmem>>, vector<16xf32>,
        %add3A_275 = arith.constant 14 : i32
        %add3A_276 = arith.addi %mul3A_81, %add3A_275 : i32
        %get3A_277 = arith.index_cast %add3A_276 : i32 to index
        %get3A_278 = arith.constant 0 : index
        %get3A_279 = tpu.vector_load %arg16[%get3A_277, %get3A_278] {strides = array<i32>} : memref<128x16xf32, #tpu.memory_space<vmem>>, vector<16xf32>,
        %slice3A_280 = vector.extract_strided_slice %get3A_79 {offsets = [14], sizes = [1], strides = [1]} : vector<16xf32> to vector<1xf32>
        %squeeze3A_281 = vector.extract %slice3A_280[0] : f32 from vector<1xf32>
        %mul3A_282 = vector.broadcast %squeeze3A_281 : f32 to vector<16xf32>
        %mul3A_283 = arith.mulf %get3A_279, %mul3A_282 : vector<16xf32>
        %add3A_284 = arith.constant 14 : i32
        %add3A_285 = arith.addi %mul3A_81, %add3A_284 : i32
        %swap3A_286 = arith.index_cast %add3A_285 : i32 to index
        %swap3A_287 = arith.constant 0 : index
        %swap3A_288 = tpu.vector_load %arg16[%swap3A_286, %swap3A_287] {strides = array<i32>} : memref<128x16xf32, #tpu.memory_space<vmem>>, vector<16xf32>,
        tpu.vector_store %arg16[%swap3A_286, %swap3A_287], %mul3A_283 {strides = array<i32>} : memref<128x16xf32, #tpu.memory_space<vmem>>, vector<16xf32>,
        %add3A_289 = arith.constant 15 : i32
        %add3A_290 = arith.addi %mul3A_81, %add3A_289 : i32
        %get3A_291 = arith.index_cast %add3A_290 : i32 to index
        %get3A_292 = arith.constant 0 : index
        %get3A_293 = tpu.vector_load %arg16[%get3A_291, %get3A_292] {strides = array<i32>} : memref<128x16xf32, #tpu.memory_space<vmem>>, vector<16xf32>,
        %slice3A_294 = vector.extract_strided_slice %get3A_79 {offsets = [15], sizes = [1], strides = [1]} : vector<16xf32> to vector<1xf32>
        %squeeze3A_295 = vector.extract %slice3A_294[0] : f32 from vector<1xf32>
        %mul3A_296 = vector.broadcast %squeeze3A_295 : f32 to vector<16xf32>
        %mul3A_297 = arith.mulf %get3A_293, %mul3A_296 : vector<16xf32>
        %add3A_298 = arith.constant 15 : i32
        %add3A_299 = arith.addi %mul3A_81, %add3A_298 : i32
        %swap3A_300 = arith.index_cast %add3A_299 : i32 to index
        %swap3A_301 = arith.constant 0 : index
        %swap3A_302 = tpu.vector_load %arg16[%swap3A_300, %swap3A_301] {strides = array<i32>} : memref<128x16xf32, #tpu.memory_space<vmem>>, vector<16xf32>,
        tpu.vector_store %arg16[%swap3A_300, %swap3A_301], %mul3A_297 {strides = array<i32>} : memref<128x16xf32, #tpu.memory_space<vmem>>, vector<16xf32>,
        %scan3A_303 = arith.constant 0 : i32
        scf.yield %scan3A_303 : i32
      }
      %scan3A_69 = arith.constant 8 : i32
      "tpu.region"() ({
        %run_scoped3A = tpu.sem_alloc : memref<!tpu.dma_semaphore, #tpu.memory_space<semaphore_mem>>
        %dma_start3A_71 = arith.constant 0 : i32
        %dma_start3A_72 = tpu.memref_slice %arg12[%scan3A_51, %dma_start3A_71] : memref<81x128xi32, #tpu.memory_space<vmem>> -> memref<1x128xi32, #tpu.memory_space<vmem>>
        %dma_start3A_73 = tpu.memref_squeeze %dma_start3A_72 : memref<1x128xi32, #tpu.memory_space<vmem>> -> memref<128xi32, #tpu.memory_space<vmem>>
        %dma_start3A_74 = arith.constant 0 : i32
        %dma_start3A_75 = arith.constant 0 : i32
        %dma_start3A_76 = tpu.memref_slice %arg22[%dma_start3A_74, %dma_start3A_75] : memref<10240x16xf32, #tpu.memory_space<vmem_shared>> -> memref<10240x16xf32, #tpu.memory_space<vmem_shared>>
        tpu.enqueue_indirect_dma source(%arg16 : memref<128x16xf32, #tpu.memory_space<vmem>>) target(%dma_start3A_76 : memref<10240x16xf32, #tpu.memory_space<vmem_shared>>) offsets(%dma_start3A_73 : memref<128xi32, #tpu.memory_space<vmem>>) semaphore(%run_scoped3A : memref<!tpu.dma_semaphore, #tpu.memory_space<semaphore_mem>>) {add = true}
        %dma_wait3A_77 = arith.constant 0 : i32
        %dma_wait3A_78 = tpu.memref_slice %arg12[%scan3A_51, %dma_wait3A_77] : memref<81x128xi32, #tpu.memory_space<vmem>> -> memref<1x128xi32, #tpu.memory_space<vmem>>
        %dma_wait3A_79 = tpu.memref_squeeze %dma_wait3A_78 : memref<1x128xi32, #tpu.memory_space<vmem>> -> memref<128xi32, #tpu.memory_space<vmem>>
        %dma_wait3A_80 = arith.constant 0 : i32
        %dma_wait3A_81 = arith.constant 0 : i32
        %dma_wait3A_82 = tpu.memref_slice %arg22[%dma_wait3A_80, %dma_wait3A_81] : memref<10240x16xf32, #tpu.memory_space<vmem_shared>> -> memref<10240x16xf32, #tpu.memory_space<vmem_shared>>
        tpu.wait_indirect_dma semaphore(%run_scoped3A : memref<!tpu.dma_semaphore, #tpu.memory_space<semaphore_mem>>) src(%arg16 : memref<128x16xf32, #tpu.memory_space<vmem>>) dst(%dma_wait3A_82 : memref<10240x16xf32, #tpu.memory_space<vmem_shared>>)
        tpu.yield
      }) : () -> ()
      %scan3A_70 = arith.constant 0 : i32
      scf.yield %scan3A_70 : i32
    }
    %scan3A_41 = arith.constant 81 : i32
    %barrier3A_42 = arith.constant 0 : index
    tpu.barrier barrier_id(%barrier3A_42)
    %mul3A_43 = arith.constant 640 : i32
    %mul3A_44 = arith.muli %arg1, %mul3A_43 : i32
    "tpu.region"() ({
      %run_scoped3A = tpu.sem_alloc : memref<!tpu.dma_semaphore, #tpu.memory_space<semaphore_mem>>
      %dma_start3A = tpu.memref_slice %arg21[%mul3A_44] : memref<10240xf32, #tpu.memory_space<vmem_shared>> -> memref<640xf32, #tpu.memory_space<vmem_shared>>
      %dma_start3A_51 = tpu.memref_slice %arg21[%mul3A_44] : memref<10240xf32, #tpu.memory_space<vmem_shared>> -> memref<640xf32, #tpu.memory_space<vmem_shared>>
      tpu.enqueue_dma source(%dma_start3A_51 : memref<640xf32, #tpu.memory_space<vmem_shared>>) target(%arg19 : memref<640xf32, #tpu.memory_space<vmem>>) target_semaphore(%run_scoped3A : memref<!tpu.dma_semaphore, #tpu.memory_space<semaphore_mem>>)
      %dma_wait3A = tpu.memref_slice %arg21[%mul3A_44] : memref<10240xf32, #tpu.memory_space<vmem_shared>> -> memref<640xf32, #tpu.memory_space<vmem_shared>>
      %dma_wait3A_52 = tpu.memref_slice %arg21[%mul3A_44] : memref<10240xf32, #tpu.memory_space<vmem_shared>> -> memref<640xf32, #tpu.memory_space<vmem_shared>>
      tpu.wait_dma2 semaphore(%run_scoped3A : memref<!tpu.dma_semaphore, #tpu.memory_space<semaphore_mem>>) src(%dma_wait3A_52 : memref<640xf32, #tpu.memory_space<vmem_shared>>) dst(%arg19 : memref<640xf32, #tpu.memory_space<vmem>>)
      tpu.yield
    }) : () -> ()
    %mul3A_45 = arith.constant 640 : i32
    %mul3A_46 = arith.muli %arg1, %mul3A_45 : i32
    "tpu.region"() ({
      %run_scoped3A = tpu.sem_alloc : memref<!tpu.dma_semaphore, #tpu.memory_space<semaphore_mem>>
      %dma_start3A = arith.constant 0 : i32
      %dma_start3A_51 = tpu.memref_slice %arg9[%arg0, %dma_start3A] : memref<2x10240xf32, #tpu.memory_space<hbm>> -> memref<1x10240xf32, #tpu.memory_space<hbm>>
      %dma_start3A_52 = tpu.memref_squeeze %dma_start3A_51 : memref<1x10240xf32, #tpu.memory_space<hbm>> -> memref<10240xf32, #tpu.memory_space<hbm>>
      %dma_start3A_53 = tpu.memref_slice %dma_start3A_52[%mul3A_46] : memref<10240xf32, #tpu.memory_space<hbm>> -> memref<640xf32, #tpu.memory_space<hbm>>
      %dma_start3A_54 = arith.constant 0 : i32
      %dma_start3A_55 = tpu.memref_slice %arg9[%arg0, %dma_start3A_54] : memref<2x10240xf32, #tpu.memory_space<hbm>> -> memref<1x10240xf32, #tpu.memory_space<hbm>>
      %dma_start3A_56 = tpu.memref_squeeze %dma_start3A_55 : memref<1x10240xf32, #tpu.memory_space<hbm>> -> memref<10240xf32, #tpu.memory_space<hbm>>
      %dma_start3A_57 = tpu.memref_slice %dma_start3A_56[%mul3A_46] : memref<10240xf32, #tpu.memory_space<hbm>> -> memref<640xf32, #tpu.memory_space<hbm>>
      tpu.enqueue_dma source(%arg19 : memref<640xf32, #tpu.memory_space<vmem>>) target(%dma_start3A_57 : memref<640xf32, #tpu.memory_space<hbm>>) target_semaphore(%run_scoped3A : memref<!tpu.dma_semaphore, #tpu.memory_space<semaphore_mem>>)
      %dma_wait3A = arith.constant 0 : i32
      %dma_wait3A_58 = tpu.memref_slice %arg9[%arg0, %dma_wait3A] : memref<2x10240xf32, #tpu.memory_space<hbm>> -> memref<1x10240xf32, #tpu.memory_space<hbm>>
      %dma_wait3A_59 = tpu.memref_squeeze %dma_wait3A_58 : memref<1x10240xf32, #tpu.memory_space<hbm>> -> memref<10240xf32, #tpu.memory_space<hbm>>
      %dma_wait3A_60 = tpu.memref_slice %dma_wait3A_59[%mul3A_46] : memref<10240xf32, #tpu.memory_space<hbm>> -> memref<640xf32, #tpu.memory_space<hbm>>
      %dma_wait3A_61 = arith.constant 0 : i32
      %dma_wait3A_62 = tpu.memref_slice %arg9[%arg0, %dma_wait3A_61] : memref<2x10240xf32, #tpu.memory_space<hbm>> -> memref<1x10240xf32, #tpu.memory_space<hbm>>
      %dma_wait3A_63 = tpu.memref_squeeze %dma_wait3A_62 : memref<1x10240xf32, #tpu.memory_space<hbm>> -> memref<10240xf32, #tpu.memory_space<hbm>>
      %dma_wait3A_64 = tpu.memref_slice %dma_wait3A_63[%mul3A_46] : memref<10240xf32, #tpu.memory_space<hbm>> -> memref<640xf32, #tpu.memory_space<hbm>>
      tpu.wait_dma2 semaphore(%run_scoped3A : memref<!tpu.dma_semaphore, #tpu.memory_space<semaphore_mem>>) src(%arg19 : memref<640xf32, #tpu.memory_space<vmem>>) dst(%dma_wait3A_64 : memref<640xf32, #tpu.memory_space<hbm>>)
      tpu.yield
    }) : () -> ()
    %mul3A_47 = arith.constant 640 : i32
    %mul3A_48 = arith.muli %arg1, %mul3A_47 : i32
    "tpu.region"() ({
      %run_scoped3A = tpu.sem_alloc : memref<!tpu.dma_semaphore, #tpu.memory_space<semaphore_mem>>
      %dma_start3A = arith.constant 0 : i32
      %dma_start3A_51 = tpu.memref_slice %arg22[%mul3A_48, %dma_start3A] : memref<10240x16xf32, #tpu.memory_space<vmem_shared>> -> memref<640x16xf32, #tpu.memory_space<vmem_shared>>
      %dma_start3A_52 = arith.constant 0 : i32
      %dma_start3A_53 = tpu.memref_slice %arg22[%mul3A_48, %dma_start3A_52] : memref<10240x16xf32, #tpu.memory_space<vmem_shared>> -> memref<640x16xf32, #tpu.memory_space<vmem_shared>>
      tpu.enqueue_dma source(%dma_start3A_53 : memref<640x16xf32, #tpu.memory_space<vmem_shared>>) target(%arg17 : memref<640x16xf32, #tpu.memory_space<vmem>>) target_semaphore(%run_scoped3A : memref<!tpu.dma_semaphore, #tpu.memory_space<semaphore_mem>>)
      %dma_wait3A = arith.constant 0 : i32
      %dma_wait3A_54 = tpu.memref_slice %arg22[%mul3A_48, %dma_wait3A] : memref<10240x16xf32, #tpu.memory_space<vmem_shared>> -> memref<640x16xf32, #tpu.memory_space<vmem_shared>>
      %dma_wait3A_55 = arith.constant 0 : i32
      %dma_wait3A_56 = tpu.memref_slice %arg22[%mul3A_48, %dma_wait3A_55] : memref<10240x16xf32, #tpu.memory_space<vmem_shared>> -> memref<640x16xf32, #tpu.memory_space<vmem_shared>>
      tpu.wait_dma2 semaphore(%run_scoped3A : memref<!tpu.dma_semaphore, #tpu.memory_space<semaphore_mem>>) src(%dma_wait3A_56 : memref<640x16xf32, #tpu.memory_space<vmem_shared>>) dst(%arg17 : memref<640x16xf32, #tpu.memory_space<vmem>>)
      tpu.yield
    }) : () -> ()
    %mul3A_49 = arith.constant 640 : i32
    %mul3A_50 = arith.muli %arg1, %mul3A_49 : i32
    "tpu.region"() ({
      %run_scoped3A = tpu.sem_alloc : memref<!tpu.dma_semaphore, #tpu.memory_space<semaphore_mem>>
      %dma_start3A = arith.constant 0 : i32
      %dma_start3A_51 = arith.constant 0 : i32
      %dma_start3A_52 = tpu.memref_slice %arg10[%arg0, %dma_start3A, %dma_start3A_51] : memref<2x10240x16xf32, #tpu.memory_space<hbm>> -> memref<1x10240x16xf32, #tpu.memory_space<hbm>>
      %dma_start3A_53 = tpu.memref_squeeze %dma_start3A_52 : memref<1x10240x16xf32, #tpu.memory_space<hbm>> -> memref<10240x16xf32, #tpu.memory_space<hbm>>
      %dma_start3A_54 = arith.constant 0 : i32
      %dma_start3A_55 = tpu.memref_slice %dma_start3A_53[%mul3A_50, %dma_start3A_54] : memref<10240x16xf32, #tpu.memory_space<hbm>> -> memref<640x16xf32, #tpu.memory_space<hbm>>
      %dma_start3A_56 = arith.constant 0 : i32
      %dma_start3A_57 = arith.constant 0 : i32
      %dma_start3A_58 = tpu.memref_slice %arg10[%arg0, %dma_start3A_56, %dma_start3A_57] : memref<2x10240x16xf32, #tpu.memory_space<hbm>> -> memref<1x10240x16xf32, #tpu.memory_space<hbm>>
      %dma_start3A_59 = tpu.memref_squeeze %dma_start3A_58 : memref<1x10240x16xf32, #tpu.memory_space<hbm>> -> memref<10240x16xf32, #tpu.memory_space<hbm>>
      %dma_start3A_60 = arith.constant 0 : i32
      %dma_start3A_61 = tpu.memref_slice %dma_start3A_59[%mul3A_50, %dma_start3A_60] : memref<10240x16xf32, #tpu.memory_space<hbm>> -> memref<640x16xf32, #tpu.memory_space<hbm>>
      tpu.enqueue_dma source(%arg17 : memref<640x16xf32, #tpu.memory_space<vmem>>) target(%dma_start3A_61 : memref<640x16xf32, #tpu.memory_space<hbm>>) target_semaphore(%run_scoped3A : memref<!tpu.dma_semaphore, #tpu.memory_space<semaphore_mem>>)
      %dma_wait3A = arith.constant 0 : i32
      %dma_wait3A_62 = arith.constant 0 : i32
      %dma_wait3A_63 = tpu.memref_slice %arg10[%arg0, %dma_wait3A, %dma_wait3A_62] : memref<2x10240x16xf32, #tpu.memory_space<hbm>> -> memref<1x10240x16xf32, #tpu.memory_space<hbm>>
      %dma_wait3A_64 = tpu.memref_squeeze %dma_wait3A_63 : memref<1x10240x16xf32, #tpu.memory_space<hbm>> -> memref<10240x16xf32, #tpu.memory_space<hbm>>
      %dma_wait3A_65 = arith.constant 0 : i32
      %dma_wait3A_66 = tpu.memref_slice %dma_wait3A_64[%mul3A_50, %dma_wait3A_65] : memref<10240x16xf32, #tpu.memory_space<hbm>> -> memref<640x16xf32, #tpu.memory_space<hbm>>
      %dma_wait3A_67 = arith.constant 0 : i32
      %dma_wait3A_68 = arith.constant 0 : i32
      %dma_wait3A_69 = tpu.memref_slice %arg10[%arg0, %dma_wait3A_67, %dma_wait3A_68] : memref<2x10240x16xf32, #tpu.memory_space<hbm>> -> memref<1x10240x16xf32, #tpu.memory_space<hbm>>
      %dma_wait3A_70 = tpu.memref_squeeze %dma_wait3A_69 : memref<1x10240x16xf32, #tpu.memory_space<hbm>> -> memref<10240x16xf32, #tpu.memory_space<hbm>>
      %dma_wait3A_71 = arith.constant 0 : i32
      %dma_wait3A_72 = tpu.memref_slice %dma_wait3A_70[%mul3A_50, %dma_wait3A_71] : memref<10240x16xf32, #tpu.memory_space<hbm>> -> memref<640x16xf32, #tpu.memory_space<hbm>>
      tpu.wait_dma2 semaphore(%run_scoped3A : memref<!tpu.dma_semaphore, #tpu.memory_space<semaphore_mem>>) src(%arg17 : memref<640x16xf32, #tpu.memory_space<vmem>>) dst(%dma_wait3A_72 : memref<640x16xf32, #tpu.memory_space<hbm>>)
      tpu.yield
    }) : () -> ()
    return
  }
}

module attributes {stable_mosaic.version = 14 : i64} {
  func.func @_proj_body(%arg0: i32, %arg1: memref<512x128xbf16, #tpu.memory_space<vmem>>, %arg2: memref<512x128xbf16, #tpu.memory_space<vmem>>, %arg3: memref<512x128xbf16, #tpu.memory_space<vmem>>, %arg4: memref<128x16xbf16, #tpu.memory_space<vmem>>, %arg5: memref<128x16xbf16, #tpu.memory_space<vmem>>, %arg6: memref<128x16xbf16, #tpu.memory_space<vmem>>, %arg7: memref<1x16xf32, #tpu.memory_space<vmem>>, %arg8: memref<1x16xf32, #tpu.memory_space<vmem>>, %arg9: memref<2500x128xf32, #tpu.memory_space<vmem>>, %arg10: memref<16x1xf32, #tpu.memory_space<vmem>>, %arg11: memref<16x1xf32, #tpu.memory_space<vmem>>, %arg12: memref<512x16xf32, #tpu.memory_space<vmem>>, %arg13: memref<512x1xf32, #tpu.memory_space<vmem>>, %arg14: memref<512x1xf32, #tpu.memory_space<vmem>>, %arg15: memref<1x2xf32, #tpu.memory_space<vmem>>) attributes {dimension_semantics = [#tpu.dimension_semantics<arbitrary>], iteration_bounds = array<i64: 20>, scalar_prefetch = 0 : i64, scratch_operands = 0 : i64, tpu.core_type = #tpu.core_type<tc>, window_params = [{transform_indices = @transform_0, window_bounds = array<i64: 512, 128>}, {transform_indices = @transform_1, window_bounds = array<i64: 512, 128>}, {transform_indices = @transform_2, window_bounds = array<i64: 512, 128>}, {pipeline_mode = #tpu.pipeline_mode<synchronous>, transform_indices = @transform_3, window_bounds = array<i64: 128, 16>}, {pipeline_mode = #tpu.pipeline_mode<synchronous>, transform_indices = @transform_4, window_bounds = array<i64: 128, 16>}, {pipeline_mode = #tpu.pipeline_mode<synchronous>, transform_indices = @transform_5, window_bounds = array<i64: 128, 16>}, {pipeline_mode = #tpu.pipeline_mode<synchronous>, transform_indices = @transform_6, window_bounds = array<i64: 1, 16>}, {pipeline_mode = #tpu.pipeline_mode<synchronous>, transform_indices = @transform_7, window_bounds = array<i64: 1, 16>}, {pipeline_mode = #tpu.pipeline_mode<synchronous>, transform_indices = @transform_8, window_bounds = array<i64: 2500, 128>}, {pipeline_mode = #tpu.pipeline_mode<synchronous>, transform_indices = @transform_9, window_bounds = array<i64: 16, 1>}, {pipeline_mode = #tpu.pipeline_mode<synchronous>, transform_indices = @transform_10, window_bounds = array<i64: 16, 1>}, {transform_indices = @transform_11, window_bounds = array<i64: 512, 16>}, {transform_indices = @transform_12, window_bounds = array<i64: 512, 1>}, {transform_indices = @transform_13, window_bounds = array<i64: 512, 1>}, {pipeline_mode = #tpu.pipeline_mode<synchronous>, transform_indices = @transform_14, window_bounds = array<i64: 1, 2>}]} {
    %get3A = arith.constant 0 : index
    %get3A_0 = arith.constant 0 : index
    %get3A_1 = vector.load %arg1[%get3A, %get3A_0] : memref<512x128xbf16, #tpu.memory_space<vmem>>, vector<512x128xbf16>
    %get3A_2 = arith.constant 0 : index
    %get3A_3 = arith.constant 0 : index
    %get3A_4 = vector.load %arg2[%get3A_2, %get3A_3] : memref<512x128xbf16, #tpu.memory_space<vmem>>, vector<512x128xbf16>
    %get3A_5 = arith.constant 0 : index
    %get3A_6 = arith.constant 0 : index
    %get3A_7 = vector.load %arg3[%get3A_5, %get3A_6] : memref<512x128xbf16, #tpu.memory_space<vmem>>, vector<512x128xbf16>
    %get3A_8 = arith.constant 0 : index
    %get3A_9 = arith.constant 0 : index
    %get3A_10 = vector.load %arg4[%get3A_8, %get3A_9] : memref<128x16xbf16, #tpu.memory_space<vmem>>, vector<128x16xbf16>
    %get3A_11 = arith.constant 0 : index
    %get3A_12 = arith.constant 0 : index
    %get3A_13 = vector.load %arg5[%get3A_11, %get3A_12] : memref<128x16xbf16, #tpu.memory_space<vmem>>, vector<128x16xbf16>
    %get3A_14 = arith.constant 0 : index
    %get3A_15 = arith.constant 0 : index
    %get3A_16 = vector.load %arg6[%get3A_14, %get3A_15] : memref<128x16xbf16, #tpu.memory_space<vmem>>, vector<128x16xbf16>
    %dot_general3A = arith.constant dense<0.000000e+00> : vector<512x16xf32>
    %dot_general3A_17 = tpu.matmul %get3A_4, %get3A_13, %dot_general3A {dimension_numbers = #tpu.dot_dimension_numbers<[1], [0], [0], [1], [0, 0, 1, 1], [], []>, transpose_lhs_hint = false} : vector<512x128xbf16>, vector<128x16xbf16>, vector<512x16xf32> -> vector<512x16xf32>
    %dot_general3A_18 = arith.constant dense<0.000000e+00> : vector<512x16xf32>
    %dot_general3A_19 = tpu.matmul %get3A_1, %get3A_16, %dot_general3A_18 {dimension_numbers = #tpu.dot_dimension_numbers<[1], [0], [0], [1], [0, 0, 1, 1], [], []>, transpose_lhs_hint = false} : vector<512x128xbf16>, vector<128x16xbf16>, vector<512x16xf32> -> vector<512x16xf32>
    %add3A = arith.addf %dot_general3A_17, %dot_general3A_19 : vector<512x16xf32>
    %dot_general3A_20 = arith.constant dense<0.000000e+00> : vector<512x16xf32>
    %dot_general3A_21 = tpu.matmul %get3A_7, %get3A_10, %dot_general3A_20 {dimension_numbers = #tpu.dot_dimension_numbers<[1], [0], [0], [1], [0, 0, 1, 1], [], []>, transpose_lhs_hint = false} : vector<512x128xbf16>, vector<128x16xbf16>, vector<512x16xf32> -> vector<512x16xf32>
    %add3A_22 = arith.addf %add3A, %dot_general3A_21 : vector<512x16xf32>
    %dot_general3A_23 = arith.constant dense<0.000000e+00> : vector<512x16xf32>
    %dot_general3A_24 = tpu.matmul %get3A_1, %get3A_13, %dot_general3A_23 {dimension_numbers = #tpu.dot_dimension_numbers<[1], [0], [0], [1], [0, 0, 1, 1], [], []>, transpose_lhs_hint = false} : vector<512x128xbf16>, vector<128x16xbf16>, vector<512x16xf32> -> vector<512x16xf32>
    %dot_general3A_25 = arith.constant dense<0.000000e+00> : vector<512x16xf32>
    %dot_general3A_26 = tpu.matmul %get3A_4, %get3A_10, %dot_general3A_25 {dimension_numbers = #tpu.dot_dimension_numbers<[1], [0], [0], [1], [0, 0, 1, 1], [], []>, transpose_lhs_hint = false} : vector<512x128xbf16>, vector<128x16xbf16>, vector<512x16xf32> -> vector<512x16xf32>
    %add3A_27 = arith.addf %dot_general3A_24, %dot_general3A_26 : vector<512x16xf32>
    %add3A_28 = arith.addf %add3A_22, %add3A_27 : vector<512x16xf32>
    %dot_general3A_29 = arith.constant dense<0.000000e+00> : vector<512x16xf32>
    %dot_general3A_30 = tpu.matmul %get3A_1, %get3A_10, %dot_general3A_29 {dimension_numbers = #tpu.dot_dimension_numbers<[1], [0], [0], [1], [0, 0, 1, 1], [], []>, transpose_lhs_hint = false} : vector<512x128xbf16>, vector<128x16xbf16>, vector<512x16xf32> -> vector<512x16xf32>
    %add3A_31 = arith.addf %add3A_28, %dot_general3A_30 : vector<512x16xf32>
    %swap3A = arith.constant 0 : index
    %swap3A_32 = arith.constant 0 : index
    %swap3A_33 = vector.load %arg12[%swap3A, %swap3A_32] : memref<512x16xf32, #tpu.memory_space<vmem>>, vector<512x16xf32>
    tpu.vector_store %arg12[%swap3A, %swap3A_32], %add3A_31 {strides = array<i32>} : memref<512x16xf32, #tpu.memory_space<vmem>>, vector<512x16xf32>,
    %get3A_34 = arith.constant 0 : index
    %get3A_35 = arith.constant 0 : index
    %get3A_36 = vector.load %arg7[%get3A_34, %get3A_35] : memref<1x16xf32, #tpu.memory_space<vmem>>, vector<1x16xf32>
    %mul3A = vector.broadcast %get3A_36 : vector<1x16xf32> to vector<512x16xf32>
    %mul3A_37 = arith.mulf %add3A_31, %mul3A : vector<512x16xf32>
    %reduce_sum3A = arith.constant dense<0.000000e+00> : vector<512xf32>
    %reduce_sum3A_38 = vector.multi_reduction <add>, %mul3A_37, %reduce_sum3A [1] : vector<512x16xf32> to vector<512xf32>
    %broadcast_in_dim3A = vector.shape_cast %reduce_sum3A_38 : vector<512xf32> to vector<512x1xf32>
    %swap3A_39 = arith.constant 0 : index
    %swap3A_40 = arith.constant 0 : index
    %swap3A_41 = vector.load %arg13[%swap3A_39, %swap3A_40] : memref<512x1xf32, #tpu.memory_space<vmem>>, vector<512x1xf32>
    tpu.vector_store %arg13[%swap3A_39, %swap3A_40], %broadcast_in_dim3A {strides = array<i32>} : memref<512x1xf32, #tpu.memory_space<vmem>>, vector<512x1xf32>,
    %get3A_42 = arith.constant 0 : index
    %get3A_43 = arith.constant 0 : index
    %get3A_44 = vector.load %arg8[%get3A_42, %get3A_43] : memref<1x16xf32, #tpu.memory_space<vmem>>, vector<1x16xf32>
    %mul3A_45 = vector.broadcast %get3A_44 : vector<1x16xf32> to vector<512x16xf32>
    %mul3A_46 = arith.mulf %add3A_31, %mul3A_45 : vector<512x16xf32>
    %reduce_sum3A_47 = arith.constant dense<0.000000e+00> : vector<512xf32>
    %reduce_sum3A_48 = vector.multi_reduction <add>, %mul3A_46, %reduce_sum3A_47 [1] : vector<512x16xf32> to vector<512xf32>
    %broadcast_in_dim3A_49 = vector.shape_cast %reduce_sum3A_48 : vector<512xf32> to vector<512x1xf32>
    %swap3A_50 = arith.constant 0 : index
    %swap3A_51 = arith.constant 0 : index
    %swap3A_52 = vector.load %arg14[%swap3A_50, %swap3A_51] : memref<512x1xf32, #tpu.memory_space<vmem>>, vector<512x1xf32>
    tpu.vector_store %arg14[%swap3A_50, %swap3A_51], %broadcast_in_dim3A_49 {strides = array<i32>} : memref<512x1xf32, #tpu.memory_space<vmem>>, vector<512x1xf32>,
    %eq3A = arith.constant 0 : i32
    %eq3A_53 = arith.cmpi eq, %arg0, %eq3A : i32
    %convert_element_type3A = arith.extui %eq3A_53 : i1 to i32
    %cond3A = arith.constant 0 : i32
    %cond3A_54 = arith.cmpi ne, %convert_element_type3A, %cond3A : i32
    scf.if %cond3A_54 {
      %get3A_55 = arith.constant 0 : index
      %get3A_56 = arith.constant 0 : index
      %get3A_57 = vector.load %arg9[%get3A_55, %get3A_56] : memref<2500x128xf32, #tpu.memory_space<vmem>>, vector<2500x128xf32>
      %reduce_sum3A_58 = vector.shape_cast %get3A_57 : vector<2500x128xf32> to vector<1x2500x128xf32>
      %reduce_sum3A_59 = arith.constant dense<0.000000e+00> : vector<1xf32>
      %reduce_sum3A_60 = vector.multi_reduction <add>, %reduce_sum3A_58, %reduce_sum3A_59 [1, 2] : vector<1x2500x128xf32> to vector<1xf32>
      %reduce_sum3A_61 = vector.shape_cast %reduce_sum3A_60 : vector<1xf32> to vector<1x1x1xf32>
      %reduce_sum3A_62 = vector.extract %reduce_sum3A_61[0, 0, 0] : f32 from vector<1x1x1xf32>
      %get3A_63 = arith.constant 0 : index
      %get3A_64 = arith.constant 0 : index
      %get3A_65 = vector.load %arg10[%get3A_63, %get3A_64] : memref<16x1xf32, #tpu.memory_space<vmem>>, vector<16x1xf32>
      %get3A_66 = arith.constant 0 : index
      %get3A_67 = arith.constant 0 : index
      %get3A_68 = vector.load %arg11[%get3A_66, %get3A_67] : memref<16x1xf32, #tpu.memory_space<vmem>>, vector<16x1xf32>
      %mul3A_69 = arith.mulf %get3A_65, %get3A_68 : vector<16x1xf32>
      %reduce_sum3A_70 = vector.shape_cast %mul3A_69 : vector<16x1xf32> to vector<1x16x1xf32>
      %reduce_sum3A_71 = arith.constant dense<0.000000e+00> : vector<1xf32>
      %reduce_sum3A_72 = vector.multi_reduction <add>, %reduce_sum3A_70, %reduce_sum3A_71 [1, 2] : vector<1x16x1xf32> to vector<1xf32>
      %reduce_sum3A_73 = vector.shape_cast %reduce_sum3A_72 : vector<1xf32> to vector<1x1x1xf32>
      %reduce_sum3A_74 = vector.extract %reduce_sum3A_73[0, 0, 0] : f32 from vector<1x1x1xf32>
      %stack3A = vector.broadcast %reduce_sum3A_62 : f32 to vector<1xf32>
      %stack3A_75 = vector.broadcast %reduce_sum3A_74 : f32 to vector<1xf32>
      %stack3A_76 = tpu.concatenate %stack3A, %stack3A_75 in 0 : vector<1xf32>, vector<1xf32> -> vector<2xf32>
      %reshape3A = vector.shape_cast %stack3A_76 : vector<2xf32> to vector<1x2xf32>
      %swap3A_77 = arith.constant 0 : index
      %swap3A_78 = arith.constant 0 : index
      %swap3A_79 = vector.load %arg15[%swap3A_77, %swap3A_78] : memref<1x2xf32, #tpu.memory_space<vmem>>, vector<1x2xf32>
      tpu.vector_store %arg15[%swap3A_77, %swap3A_78], %reshape3A {strides = array<i32>} : memref<1x2xf32, #tpu.memory_space<vmem>>, vector<1x2xf32>,
    } else {
    }
    return
  }
  func.func @transform_0(%arg0: i32) -> (i32, i32) {
    %c0_i32 = arith.constant 0 : i32
    %c0_i32_0 = arith.constant 0 : i32
    return %arg0, %c0_i32 : i32, i32
  }
  func.func @transform_1(%arg0: i32) -> (i32, i32) {
    %c0_i32 = arith.constant 0 : i32
    %c0_i32_0 = arith.constant 0 : i32
    return %arg0, %c0_i32 : i32, i32
  }
  func.func @transform_2(%arg0: i32) -> (i32, i32) {
    %c0_i32 = arith.constant 0 : i32
    %c0_i32_0 = arith.constant 0 : i32
    return %arg0, %c0_i32 : i32, i32
  }
  func.func @transform_3(%arg0: i32) -> (i32, i32) {
    %c0_i32 = arith.constant 0 : i32
    %c0_i32_0 = arith.constant 0 : i32
    %c0_i32_1 = arith.constant 0 : i32
    return %c0_i32, %c0_i32_0 : i32, i32
  }
  func.func @transform_4(%arg0: i32) -> (i32, i32) {
    %c0_i32 = arith.constant 0 : i32
    %c0_i32_0 = arith.constant 0 : i32
    %c0_i32_1 = arith.constant 0 : i32
    return %c0_i32, %c0_i32_0 : i32, i32
  }
  func.func @transform_5(%arg0: i32) -> (i32, i32) {
    %c0_i32 = arith.constant 0 : i32
    %c0_i32_0 = arith.constant 0 : i32
    %c0_i32_1 = arith.constant 0 : i32
    return %c0_i32, %c0_i32_0 : i32, i32
  }
  func.func @transform_6(%arg0: i32) -> (i32, i32) {
    %c0_i32 = arith.constant 0 : i32
    %c0_i32_0 = arith.constant 0 : i32
    %c0_i32_1 = arith.constant 0 : i32
    return %c0_i32, %c0_i32_0 : i32, i32
  }
  func.func @transform_7(%arg0: i32) -> (i32, i32) {
    %c0_i32 = arith.constant 0 : i32
    %c0_i32_0 = arith.constant 0 : i32
    %c0_i32_1 = arith.constant 0 : i32
    return %c0_i32, %c0_i32_0 : i32, i32
  }
  func.func @transform_8(%arg0: i32) -> (i32, i32) {
    %c0_i32 = arith.constant 0 : i32
    %c0_i32_0 = arith.constant 0 : i32
    %c0_i32_1 = arith.constant 0 : i32
    return %c0_i32, %c0_i32_0 : i32, i32
  }
  func.func @transform_9(%arg0: i32) -> (i32, i32) {
    %c0_i32 = arith.constant 0 : i32
    %c0_i32_0 = arith.constant 0 : i32
    %c0_i32_1 = arith.constant 0 : i32
    return %c0_i32, %c0_i32_0 : i32, i32
  }
  func.func @transform_10(%arg0: i32) -> (i32, i32) {
    %c0_i32 = arith.constant 0 : i32
    %c0_i32_0 = arith.constant 0 : i32
    %c0_i32_1 = arith.constant 0 : i32
    return %c0_i32, %c0_i32_0 : i32, i32
  }
  func.func @transform_11(%arg0: i32) -> (i32, i32) {
    %c0_i32 = arith.constant 0 : i32
    %c0_i32_0 = arith.constant 0 : i32
    return %arg0, %c0_i32 : i32, i32
  }
  func.func @transform_12(%arg0: i32) -> (i32, i32) {
    %c0_i32 = arith.constant 0 : i32
    %c0_i32_0 = arith.constant 0 : i32
    return %arg0, %c0_i32 : i32, i32
  }
  func.func @transform_13(%arg0: i32) -> (i32, i32) {
    %c0_i32 = arith.constant 0 : i32
    %c0_i32_0 = arith.constant 0 : i32
    return %arg0, %c0_i32 : i32, i32
  }
  func.func @transform_14(%arg0: i32) -> (i32, i32) {
    %c0_i32 = arith.constant 0 : i32
    %c0_i32_0 = arith.constant 0 : i32
    %c0_i32_1 = arith.constant 0 : i32
    return %c0_i32, %c0_i32_0 : i32, i32
  }
}

module attributes {stable_mosaic.version = 14 : i64} {
  func.func @_head_body(%arg0: memref<2x10240x16xf32, #tpu.memory_space<vmem>>, %arg1: memref<2x10240xf32, #tpu.memory_space<vmem>>, %arg2: memref<8x10240xi32, #tpu.memory_space<vmem>>, %arg3: memref<1x16xf32, #tpu.memory_space<vmem>>, %arg4: memref<1x16xf32, #tpu.memory_space<vmem>>, %arg5: memref<1x16xf32, #tpu.memory_space<vmem>>, %arg6: memref<16x16xf32, #tpu.memory_space<vmem>>, %arg7: memref<1x16xf32, #tpu.memory_space<vmem>>, %arg8: memref<1x16xf32, #tpu.memory_space<vmem>>, %arg9: memref<1x16xf32, #tpu.memory_space<vmem>>, %arg10: memref<16x16xf32, #tpu.memory_space<vmem>>, %arg11: memref<1x16xf32, #tpu.memory_space<vmem>>, %arg12: memref<1x16xf32, #tpu.memory_space<vmem>>, %arg13: memref<1x16xf32, #tpu.memory_space<vmem>>, %arg14: memref<16x16xf32, #tpu.memory_space<vmem>>, %arg15: memref<1x16xf32, #tpu.memory_space<vmem>>, %arg16: memref<1x16xf32, #tpu.memory_space<vmem>>, %arg17: memref<1x16xf32, #tpu.memory_space<vmem>>, %arg18: memref<16x1xf32, #tpu.memory_space<vmem>>, %arg19: memref<1x1xf32, #tpu.memory_space<vmem>>, %arg20: memref<64x1xf32, #tpu.memory_space<vmem>>) attributes {dimension_semantics = [], scalar_prefetch = 0 : i64, scratch_operands = 0 : i64, tpu.core_type = #tpu.core_type<tc>} {
    %get3A = arith.constant 0 : index
    %get3A_0 = arith.constant 0 : index
    %get3A_1 = vector.load %arg1[%get3A, %get3A_0] : memref<2x10240xf32, #tpu.memory_space<vmem>>, vector<1x10240xf32>
    %get3A_2 = vector.shape_cast %get3A_1 : vector<1x10240xf32> to vector<10240xf32>
    %get3A_3 = arith.constant 1 : index
    %get3A_4 = arith.constant 0 : index
    %get3A_5 = vector.load %arg1[%get3A_3, %get3A_4] : memref<2x10240xf32, #tpu.memory_space<vmem>>, vector<1x10240xf32>
    %get3A_6 = vector.shape_cast %get3A_5 : vector<1x10240xf32> to vector<10240xf32>
    %add3A = arith.addf %get3A_2, %get3A_6 : vector<10240xf32>
    %add3A_7 = arith.constant 1.000000e-16 : f32
    %add3A_8 = vector.broadcast %add3A_7 : f32 to vector<10240xf32>
    %add3A_9 = arith.addf %add3A, %add3A_8 : vector<10240xf32>
    %get3A_10 = arith.constant 0 : index
    %get3A_11 = arith.constant 0 : index
    %get3A_12 = arith.constant 0 : index
    %get3A_13 = vector.load %arg0[%get3A_10, %get3A_11, %get3A_12] : memref<2x10240x16xf32, #tpu.memory_space<vmem>>, vector<1x10240x16xf32>
    %get3A_14 = vector.shape_cast %get3A_13 : vector<1x10240x16xf32> to vector<10240x16xf32>
    %get3A_15 = arith.constant 1 : index
    %get3A_16 = arith.constant 0 : index
    %get3A_17 = arith.constant 0 : index
    %get3A_18 = vector.load %arg0[%get3A_15, %get3A_16, %get3A_17] : memref<2x10240x16xf32, #tpu.memory_space<vmem>>, vector<1x10240x16xf32>
    %get3A_19 = vector.shape_cast %get3A_18 : vector<1x10240x16xf32> to vector<10240x16xf32>
    %add3A_20 = arith.addf %get3A_14, %get3A_19 : vector<10240x16xf32>
    %div3A = arith.constant 1.000000e+00 : f32
    %div3A_21 = vector.broadcast %div3A : f32 to vector<10240xf32>
    %div3A_22 = arith.divf %div3A_21, %add3A_9 : vector<10240xf32>
    %mul3A = arith.mulf %add3A_9, %div3A_22 : vector<10240xf32>
    %sub3A = arith.constant 1.000000e+00 : f32
    %sub3A_23 = vector.broadcast %sub3A : f32 to vector<10240xf32>
    %sub3A_24 = arith.subf %sub3A_23, %mul3A : vector<10240xf32>
    %mul3A_25 = arith.mulf %div3A_22, %sub3A_24 : vector<10240xf32>
    %add3A_26 = arith.addf %div3A_22, %mul3A_25 : vector<10240xf32>
    %broadcast_in_dim3A = vector.shape_cast %add3A_26 : vector<10240xf32> to vector<10240x1xf32>
    %mul3A_27 = vector.broadcast %broadcast_in_dim3A : vector<10240x1xf32> to vector<10240x16xf32>
    %mul3A_28 = arith.mulf %add3A_20, %mul3A_27 : vector<10240x16xf32>
    %get3A_29 = arith.constant 0 : index
    %get3A_30 = arith.constant 0 : index
    %get3A_31 = vector.load %arg3[%get3A_29, %get3A_30] : memref<1x16xf32, #tpu.memory_space<vmem>>, vector<1x16xf32>
    %add3A_32 = vector.broadcast %get3A_31 : vector<1x16xf32> to vector<10240x16xf32>
    %add3A_33 = arith.addf %mul3A_28, %add3A_32 : vector<10240x16xf32>
    %get3A_34 = arith.constant 0 : index
    %get3A_35 = arith.constant 0 : index
    %get3A_36 = vector.load %arg2[%get3A_34, %get3A_35] : memref<8x10240xi32, #tpu.memory_space<vmem>>, vector<1x10240xi32>
    %get3A_37 = vector.shape_cast %get3A_36 : vector<1x10240xi32> to vector<10240xi32>
    %iota3A = tpu.iota {dimensions = array<i32: 0>} : vector<64x1xi32>
    %broadcast_in_dim3A_38 = vector.shape_cast %get3A_37 : vector<10240xi32> to vector<1x10240xi32>
    %eq3A = vector.broadcast %broadcast_in_dim3A_38 : vector<1x10240xi32> to vector<64x10240xi32>
    %eq3A_39 = vector.broadcast %iota3A : vector<64x1xi32> to vector<64x10240xi32>
    %eq3A_40 = arith.cmpi eq, %eq3A, %eq3A_39 : vector<64x10240xi32>
    %convert_element_type3A = arith.extui %eq3A_40 : vector<64x10240xi1> to vector<64x10240xi32>
    %convert_element_type3A_41 = arith.sitofp %convert_element_type3A : vector<64x10240xi32> to vector<64x10240xf32>
    %reduce_sum3A = arith.constant dense<0.000000e+00> : vector<64xf32>
    %reduce_sum3A_42 = vector.multi_reduction <add>, %convert_element_type3A_41, %reduce_sum3A [1] : vector<64x10240xf32> to vector<64xf32>
    %convert_element_type3A_43 = arith.truncf %convert_element_type3A_41 : vector<64x10240xf32> to vector<64x10240xbf16>
    %bitcast_convert_type3A = tpu.bitcast %add3A_33 : vector<10240x16xf32> -> vector<10240x16xi32>
    %and3A = arith.constant -65536 : i32
    %and3A_44 = vector.broadcast %and3A : i32 to vector<10240x16xi32>
    %and3A_45 = arith.andi %bitcast_convert_type3A, %and3A_44 : vector<10240x16xi32>
    %bitcast_convert_type3A_46 = tpu.bitcast %and3A_45 : vector<10240x16xi32> -> vector<10240x16xf32>
    %sub3A_47 = arith.subf %add3A_33, %bitcast_convert_type3A_46 : vector<10240x16xf32>
    %convert_element_type3A_48 = arith.truncf %bitcast_convert_type3A_46 : vector<10240x16xf32> to vector<10240x16xbf16>
    %dot_general3A = arith.constant dense<0.000000e+00> : vector<64x16xf32>
    %dot_general3A_49 = tpu.matmul %convert_element_type3A_43, %convert_element_type3A_48, %dot_general3A {dimension_numbers = #tpu.dot_dimension_numbers<[1], [0], [0], [1], [0, 0, 1, 1], [], []>, transpose_lhs_hint = false} : vector<64x10240xbf16>, vector<10240x16xbf16>, vector<64x16xf32> -> vector<64x16xf32>
    %convert_element_type3A_50 = arith.truncf %sub3A_47 : vector<10240x16xf32> to vector<10240x16xbf16>
    %dot_general3A_51 = arith.constant dense<0.000000e+00> : vector<64x16xf32>
    %dot_general3A_52 = tpu.matmul %convert_element_type3A_43, %convert_element_type3A_50, %dot_general3A_51 {dimension_numbers = #tpu.dot_dimension_numbers<[1], [0], [0], [1], [0, 0, 1, 1], [], []>, transpose_lhs_hint = false} : vector<64x10240xbf16>, vector<10240x16xbf16>, vector<64x16xf32> -> vector<64x16xf32>
    %add3A_53 = arith.addf %dot_general3A_49, %dot_general3A_52 : vector<64x16xf32>
    %max3A = arith.constant 1.000000e+00 : f32
    %max3A_54 = vector.broadcast %max3A : f32 to vector<64xf32>
    %max3A_55 = arith.maximumf %reduce_sum3A_42, %max3A_54 : vector<64xf32>
    %div3A_56 = arith.constant 1.000000e+00 : f32
    %div3A_57 = vector.broadcast %div3A_56 : f32 to vector<64xf32>
    %div3A_58 = arith.divf %div3A_57, %max3A_55 : vector<64xf32>
    %mul3A_59 = arith.mulf %max3A_55, %div3A_58 : vector<64xf32>
    %sub3A_60 = arith.constant 1.000000e+00 : f32
    %sub3A_61 = vector.broadcast %sub3A_60 : f32 to vector<64xf32>
    %sub3A_62 = arith.subf %sub3A_61, %mul3A_59 : vector<64xf32>
    %mul3A_63 = arith.mulf %div3A_58, %sub3A_62 : vector<64xf32>
    %add3A_64 = arith.addf %div3A_58, %mul3A_63 : vector<64xf32>
    %broadcast_in_dim3A_65 = vector.shape_cast %add3A_64 : vector<64xf32> to vector<64x1xf32>
    %mul3A_66 = vector.broadcast %broadcast_in_dim3A_65 : vector<64x1xf32> to vector<64x16xf32>
    %mul3A_67 = arith.mulf %add3A_53, %mul3A_66 : vector<64x16xf32>
    %get3A_68 = arith.constant 0 : index
    %get3A_69 = arith.constant 0 : index
    %get3A_70 = vector.load %arg4[%get3A_68, %get3A_69] : memref<1x16xf32, #tpu.memory_space<vmem>>, vector<1x16xf32>
    %get3A_71 = arith.constant 0 : index
    %get3A_72 = arith.constant 0 : index
    %get3A_73 = vector.load %arg5[%get3A_71, %get3A_72] : memref<1x16xf32, #tpu.memory_space<vmem>>, vector<1x16xf32>
    %reduce_sum3A_74 = arith.constant dense<0.000000e+00> : vector<16xf32>
    %reduce_sum3A_75 = vector.multi_reduction <add>, %mul3A_67, %reduce_sum3A_74 [0] : vector<64x16xf32> to vector<16xf32>
    %div3A_76 = arith.constant 6.400000e+01 : f32
    %div3A_77 = vector.broadcast %div3A_76 : f32 to vector<16xf32>
    %div3A_78 = arith.divf %reduce_sum3A_75, %div3A_77 : vector<16xf32>
    %jit3A = arith.constant 0 : i32
    %reduce_sum3A_79 = arith.constant dense<0.000000e+00> : vector<16xf32>
    %reduce_sum3A_80 = vector.multi_reduction <add>, %mul3A_67, %reduce_sum3A_79 [0] : vector<64x16xf32> to vector<16xf32>
    %broadcast_in_dim3A_81 = vector.shape_cast %reduce_sum3A_80 : vector<16xf32> to vector<1x16xf32>
    %div3A_82 = arith.constant 6.400000e+01 : f32
    %div3A_83 = vector.broadcast %div3A_82 : f32 to vector<1x16xf32>
    %div3A_84 = arith.divf %broadcast_in_dim3A_81, %div3A_83 : vector<1x16xf32>
    %sub3A_85 = vector.broadcast %div3A_84 : vector<1x16xf32> to vector<64x16xf32>
    %sub3A_86 = arith.subf %mul3A_67, %sub3A_85 : vector<64x16xf32>
    %square3A = arith.mulf %sub3A_86, %sub3A_86 : vector<64x16xf32>
    %convert_element_type3A_87 = arith.sitofp %jit3A : i32 to f32
    %sub3A_88 = arith.constant 6.400000e+01 : f32
    %sub3A_89 = arith.subf %sub3A_88, %convert_element_type3A_87 : f32
    %reduce_sum3A_90 = arith.constant dense<0.000000e+00> : vector<16xf32>
    %reduce_sum3A_91 = vector.multi_reduction <add>, %square3A, %reduce_sum3A_90 [0] : vector<64x16xf32> to vector<16xf32>
    %div3A_92 = vector.broadcast %sub3A_89 : f32 to vector<16xf32>
    %div3A_93 = arith.divf %reduce_sum3A_91, %div3A_92 : vector<16xf32>
    %gt3A = arith.constant 0.000000e+00 : f32
    %gt3A_94 = arith.cmpf ogt, %sub3A_89, %gt3A : f32
    %jit3A_95 = arith.constant 0x7FC00000 : f32
    %broadcast_in_dim3A_96 = vector.broadcast %jit3A_95 : f32 to vector<16xf32>
    %select_n3A = arith.select %gt3A_94, %div3A_93, %broadcast_in_dim3A_96 : vector<16xf32>
    %broadcast_in_dim3A_97 = vector.shape_cast %div3A_78 : vector<16xf32> to vector<1x16xf32>
    %sub3A_98 = vector.broadcast %broadcast_in_dim3A_97 : vector<1x16xf32> to vector<64x16xf32>
    %sub3A_99 = arith.subf %mul3A_67, %sub3A_98 : vector<64x16xf32>
    %add3A_100 = arith.constant 9.99999974E-6 : f32
    %add3A_101 = vector.broadcast %add3A_100 : f32 to vector<16xf32>
    %add3A_102 = arith.addf %select_n3A, %add3A_101 : vector<16xf32>
    %sqrt3A = math.sqrt %add3A_102 : vector<16xf32>
    %broadcast_in_dim3A_103 = vector.shape_cast %sqrt3A : vector<16xf32> to vector<1x16xf32>
    %div3A_104 = vector.broadcast %broadcast_in_dim3A_103 : vector<1x16xf32> to vector<64x16xf32>
    %div3A_105 = arith.divf %sub3A_99, %div3A_104 : vector<64x16xf32>
    %mul3A_106 = vector.broadcast %get3A_70 : vector<1x16xf32> to vector<64x16xf32>
    %mul3A_107 = arith.mulf %div3A_105, %mul3A_106 : vector<64x16xf32>
    %add3A_108 = vector.broadcast %get3A_73 : vector<1x16xf32> to vector<64x16xf32>
    %add3A_109 = arith.addf %mul3A_107, %add3A_108 : vector<64x16xf32>
    %max3A_110 = arith.constant 0.000000e+00 : f32
    %max3A_111 = vector.broadcast %max3A_110 : f32 to vector<64x16xf32>
    %max3A_112 = arith.maximumf %add3A_109, %max3A_111 : vector<64x16xf32>
    %get3A_113 = arith.constant 0 : index
    %get3A_114 = arith.constant 0 : index
    %get3A_115 = vector.load %arg6[%get3A_113, %get3A_114] : memref<16x16xf32, #tpu.memory_space<vmem>>, vector<16x16xf32>
    %dot_general3A_116 = arith.constant dense<0.000000e+00> : vector<64x16xf32>
    %dot_general3A_117 = tpu.matmul %max3A_112, %get3A_115, %dot_general3A_116 {dimension_numbers = #tpu.dot_dimension_numbers<[1], [0], [0], [1], [0, 0, 1, 1], [], []>, transpose_lhs_hint = false} : vector<64x16xf32>, vector<16x16xf32>, vector<64x16xf32> -> vector<64x16xf32>
    %get3A_118 = arith.constant 0 : index
    %get3A_119 = arith.constant 0 : index
    %get3A_120 = vector.load %arg7[%get3A_118, %get3A_119] : memref<1x16xf32, #tpu.memory_space<vmem>>, vector<1x16xf32>
    %add3A_121 = vector.broadcast %get3A_120 : vector<1x16xf32> to vector<64x16xf32>
    %add3A_122 = arith.addf %dot_general3A_117, %add3A_121 : vector<64x16xf32>
    %get3A_123 = arith.constant 0 : index
    %get3A_124 = arith.constant 0 : index
    %get3A_125 = vector.load %arg8[%get3A_123, %get3A_124] : memref<1x16xf32, #tpu.memory_space<vmem>>, vector<1x16xf32>
    %get3A_126 = arith.constant 0 : index
    %get3A_127 = arith.constant 0 : index
    %get3A_128 = vector.load %arg9[%get3A_126, %get3A_127] : memref<1x16xf32, #tpu.memory_space<vmem>>, vector<1x16xf32>
    %reduce_sum3A_129 = arith.constant dense<0.000000e+00> : vector<16xf32>
    %reduce_sum3A_130 = vector.multi_reduction <add>, %add3A_122, %reduce_sum3A_129 [0] : vector<64x16xf32> to vector<16xf32>
    %div3A_131 = arith.constant 6.400000e+01 : f32
    %div3A_132 = vector.broadcast %div3A_131 : f32 to vector<16xf32>
    %div3A_133 = arith.divf %reduce_sum3A_130, %div3A_132 : vector<16xf32>
    %jit3A_134 = arith.constant 0 : i32
    %reduce_sum3A_135 = arith.constant dense<0.000000e+00> : vector<16xf32>
    %reduce_sum3A_136 = vector.multi_reduction <add>, %add3A_122, %reduce_sum3A_135 [0] : vector<64x16xf32> to vector<16xf32>
    %broadcast_in_dim3A_137 = vector.shape_cast %reduce_sum3A_136 : vector<16xf32> to vector<1x16xf32>
    %div3A_138 = arith.constant 6.400000e+01 : f32
    %div3A_139 = vector.broadcast %div3A_138 : f32 to vector<1x16xf32>
    %div3A_140 = arith.divf %broadcast_in_dim3A_137, %div3A_139 : vector<1x16xf32>
    %sub3A_141 = vector.broadcast %div3A_140 : vector<1x16xf32> to vector<64x16xf32>
    %sub3A_142 = arith.subf %add3A_122, %sub3A_141 : vector<64x16xf32>
    %square3A_143 = arith.mulf %sub3A_142, %sub3A_142 : vector<64x16xf32>
    %convert_element_type3A_144 = arith.sitofp %jit3A_134 : i32 to f32
    %sub3A_145 = arith.constant 6.400000e+01 : f32
    %sub3A_146 = arith.subf %sub3A_145, %convert_element_type3A_144 : f32
    %reduce_sum3A_147 = arith.constant dense<0.000000e+00> : vector<16xf32>
    %reduce_sum3A_148 = vector.multi_reduction <add>, %square3A_143, %reduce_sum3A_147 [0] : vector<64x16xf32> to vector<16xf32>
    %div3A_149 = vector.broadcast %sub3A_146 : f32 to vector<16xf32>
    %div3A_150 = arith.divf %reduce_sum3A_148, %div3A_149 : vector<16xf32>
    %gt3A_151 = arith.constant 0.000000e+00 : f32
    %gt3A_152 = arith.cmpf ogt, %sub3A_146, %gt3A_151 : f32
    %jit3A_153 = arith.constant 0x7FC00000 : f32
    %broadcast_in_dim3A_154 = vector.broadcast %jit3A_153 : f32 to vector<16xf32>
    %select_n3A_155 = arith.select %gt3A_152, %div3A_150, %broadcast_in_dim3A_154 : vector<16xf32>
    %broadcast_in_dim3A_156 = vector.shape_cast %div3A_133 : vector<16xf32> to vector<1x16xf32>
    %sub3A_157 = vector.broadcast %broadcast_in_dim3A_156 : vector<1x16xf32> to vector<64x16xf32>
    %sub3A_158 = arith.subf %add3A_122, %sub3A_157 : vector<64x16xf32>
    %add3A_159 = arith.constant 9.99999974E-6 : f32
    %add3A_160 = vector.broadcast %add3A_159 : f32 to vector<16xf32>
    %add3A_161 = arith.addf %select_n3A_155, %add3A_160 : vector<16xf32>
    %sqrt3A_162 = math.sqrt %add3A_161 : vector<16xf32>
    %broadcast_in_dim3A_163 = vector.shape_cast %sqrt3A_162 : vector<16xf32> to vector<1x16xf32>
    %div3A_164 = vector.broadcast %broadcast_in_dim3A_163 : vector<1x16xf32> to vector<64x16xf32>
    %div3A_165 = arith.divf %sub3A_158, %div3A_164 : vector<64x16xf32>
    %mul3A_166 = vector.broadcast %get3A_125 : vector<1x16xf32> to vector<64x16xf32>
    %mul3A_167 = arith.mulf %div3A_165, %mul3A_166 : vector<64x16xf32>
    %add3A_168 = vector.broadcast %get3A_128 : vector<1x16xf32> to vector<64x16xf32>
    %add3A_169 = arith.addf %mul3A_167, %add3A_168 : vector<64x16xf32>
    %max3A_170 = arith.constant 0.000000e+00 : f32
    %max3A_171 = vector.broadcast %max3A_170 : f32 to vector<64x16xf32>
    %max3A_172 = arith.maximumf %add3A_169, %max3A_171 : vector<64x16xf32>
    %get3A_173 = arith.constant 0 : index
    %get3A_174 = arith.constant 0 : index
    %get3A_175 = vector.load %arg10[%get3A_173, %get3A_174] : memref<16x16xf32, #tpu.memory_space<vmem>>, vector<16x16xf32>
    %dot_general3A_176 = arith.constant dense<0.000000e+00> : vector<64x16xf32>
    %dot_general3A_177 = tpu.matmul %max3A_172, %get3A_175, %dot_general3A_176 {dimension_numbers = #tpu.dot_dimension_numbers<[1], [0], [0], [1], [0, 0, 1, 1], [], []>, transpose_lhs_hint = false} : vector<64x16xf32>, vector<16x16xf32>, vector<64x16xf32> -> vector<64x16xf32>
    %get3A_178 = arith.constant 0 : index
    %get3A_179 = arith.constant 0 : index
    %get3A_180 = vector.load %arg11[%get3A_178, %get3A_179] : memref<1x16xf32, #tpu.memory_space<vmem>>, vector<1x16xf32>
    %add3A_181 = vector.broadcast %get3A_180 : vector<1x16xf32> to vector<64x16xf32>
    %add3A_182 = arith.addf %dot_general3A_177, %add3A_181 : vector<64x16xf32>
    %get3A_183 = arith.constant 0 : index
    %get3A_184 = arith.constant 0 : index
    %get3A_185 = vector.load %arg12[%get3A_183, %get3A_184] : memref<1x16xf32, #tpu.memory_space<vmem>>, vector<1x16xf32>
    %get3A_186 = arith.constant 0 : index
    %get3A_187 = arith.constant 0 : index
    %get3A_188 = vector.load %arg13[%get3A_186, %get3A_187] : memref<1x16xf32, #tpu.memory_space<vmem>>, vector<1x16xf32>
    %reduce_sum3A_189 = arith.constant dense<0.000000e+00> : vector<16xf32>
    %reduce_sum3A_190 = vector.multi_reduction <add>, %add3A_182, %reduce_sum3A_189 [0] : vector<64x16xf32> to vector<16xf32>
    %div3A_191 = arith.constant 6.400000e+01 : f32
    %div3A_192 = vector.broadcast %div3A_191 : f32 to vector<16xf32>
    %div3A_193 = arith.divf %reduce_sum3A_190, %div3A_192 : vector<16xf32>
    %jit3A_194 = arith.constant 0 : i32
    %reduce_sum3A_195 = arith.constant dense<0.000000e+00> : vector<16xf32>
    %reduce_sum3A_196 = vector.multi_reduction <add>, %add3A_182, %reduce_sum3A_195 [0] : vector<64x16xf32> to vector<16xf32>
    %broadcast_in_dim3A_197 = vector.shape_cast %reduce_sum3A_196 : vector<16xf32> to vector<1x16xf32>
    %div3A_198 = arith.constant 6.400000e+01 : f32
    %div3A_199 = vector.broadcast %div3A_198 : f32 to vector<1x16xf32>
    %div3A_200 = arith.divf %broadcast_in_dim3A_197, %div3A_199 : vector<1x16xf32>
    %sub3A_201 = vector.broadcast %div3A_200 : vector<1x16xf32> to vector<64x16xf32>
    %sub3A_202 = arith.subf %add3A_182, %sub3A_201 : vector<64x16xf32>
    %square3A_203 = arith.mulf %sub3A_202, %sub3A_202 : vector<64x16xf32>
    %convert_element_type3A_204 = arith.sitofp %jit3A_194 : i32 to f32
    %sub3A_205 = arith.constant 6.400000e+01 : f32
    %sub3A_206 = arith.subf %sub3A_205, %convert_element_type3A_204 : f32
    %reduce_sum3A_207 = arith.constant dense<0.000000e+00> : vector<16xf32>
    %reduce_sum3A_208 = vector.multi_reduction <add>, %square3A_203, %reduce_sum3A_207 [0] : vector<64x16xf32> to vector<16xf32>
    %div3A_209 = vector.broadcast %sub3A_206 : f32 to vector<16xf32>
    %div3A_210 = arith.divf %reduce_sum3A_208, %div3A_209 : vector<16xf32>
    %gt3A_211 = arith.constant 0.000000e+00 : f32
    %gt3A_212 = arith.cmpf ogt, %sub3A_206, %gt3A_211 : f32
    %jit3A_213 = arith.constant 0x7FC00000 : f32
    %broadcast_in_dim3A_214 = vector.broadcast %jit3A_213 : f32 to vector<16xf32>
    %select_n3A_215 = arith.select %gt3A_212, %div3A_210, %broadcast_in_dim3A_214 : vector<16xf32>
    %broadcast_in_dim3A_216 = vector.shape_cast %div3A_193 : vector<16xf32> to vector<1x16xf32>
    %sub3A_217 = vector.broadcast %broadcast_in_dim3A_216 : vector<1x16xf32> to vector<64x16xf32>
    %sub3A_218 = arith.subf %add3A_182, %sub3A_217 : vector<64x16xf32>
    %add3A_219 = arith.constant 9.99999974E-6 : f32
    %add3A_220 = vector.broadcast %add3A_219 : f32 to vector<16xf32>
    %add3A_221 = arith.addf %select_n3A_215, %add3A_220 : vector<16xf32>
    %sqrt3A_222 = math.sqrt %add3A_221 : vector<16xf32>
    %broadcast_in_dim3A_223 = vector.shape_cast %sqrt3A_222 : vector<16xf32> to vector<1x16xf32>
    %div3A_224 = vector.broadcast %broadcast_in_dim3A_223 : vector<1x16xf32> to vector<64x16xf32>
    %div3A_225 = arith.divf %sub3A_218, %div3A_224 : vector<64x16xf32>
    %mul3A_226 = vector.broadcast %get3A_185 : vector<1x16xf32> to vector<64x16xf32>
    %mul3A_227 = arith.mulf %div3A_225, %mul3A_226 : vector<64x16xf32>
    %add3A_228 = vector.broadcast %get3A_188 : vector<1x16xf32> to vector<64x16xf32>
    %add3A_229 = arith.addf %mul3A_227, %add3A_228 : vector<64x16xf32>
    %max3A_230 = arith.constant 0.000000e+00 : f32
    %max3A_231 = vector.broadcast %max3A_230 : f32 to vector<64x16xf32>
    %max3A_232 = arith.maximumf %add3A_229, %max3A_231 : vector<64x16xf32>
    %get3A_233 = arith.constant 0 : index
    %get3A_234 = arith.constant 0 : index
    %get3A_235 = vector.load %arg14[%get3A_233, %get3A_234] : memref<16x16xf32, #tpu.memory_space<vmem>>, vector<16x16xf32>
    %dot_general3A_236 = arith.constant dense<0.000000e+00> : vector<64x16xf32>
    %dot_general3A_237 = tpu.matmul %max3A_232, %get3A_235, %dot_general3A_236 {dimension_numbers = #tpu.dot_dimension_numbers<[1], [0], [0], [1], [0, 0, 1, 1], [], []>, transpose_lhs_hint = false} : vector<64x16xf32>, vector<16x16xf32>, vector<64x16xf32> -> vector<64x16xf32>
    %get3A_238 = arith.constant 0 : index
    %get3A_239 = arith.constant 0 : index
    %get3A_240 = vector.load %arg15[%get3A_238, %get3A_239] : memref<1x16xf32, #tpu.memory_space<vmem>>, vector<1x16xf32>
    %add3A_241 = vector.broadcast %get3A_240 : vector<1x16xf32> to vector<64x16xf32>
    %add3A_242 = arith.addf %dot_general3A_237, %add3A_241 : vector<64x16xf32>
    %get3A_243 = arith.constant 0 : index
    %get3A_244 = arith.constant 0 : index
    %get3A_245 = vector.load %arg16[%get3A_243, %get3A_244] : memref<1x16xf32, #tpu.memory_space<vmem>>, vector<1x16xf32>
    %get3A_246 = arith.constant 0 : index
    %get3A_247 = arith.constant 0 : index
    %get3A_248 = vector.load %arg17[%get3A_246, %get3A_247] : memref<1x16xf32, #tpu.memory_space<vmem>>, vector<1x16xf32>
    %reduce_sum3A_249 = arith.constant dense<0.000000e+00> : vector<16xf32>
    %reduce_sum3A_250 = vector.multi_reduction <add>, %add3A_242, %reduce_sum3A_249 [0] : vector<64x16xf32> to vector<16xf32>
    %div3A_251 = arith.constant 6.400000e+01 : f32
    %div3A_252 = vector.broadcast %div3A_251 : f32 to vector<16xf32>
    %div3A_253 = arith.divf %reduce_sum3A_250, %div3A_252 : vector<16xf32>
    %jit3A_254 = arith.constant 0 : i32
    %reduce_sum3A_255 = arith.constant dense<0.000000e+00> : vector<16xf32>
    %reduce_sum3A_256 = vector.multi_reduction <add>, %add3A_242, %reduce_sum3A_255 [0] : vector<64x16xf32> to vector<16xf32>
    %broadcast_in_dim3A_257 = vector.shape_cast %reduce_sum3A_256 : vector<16xf32> to vector<1x16xf32>
    %div3A_258 = arith.constant 6.400000e+01 : f32
    %div3A_259 = vector.broadcast %div3A_258 : f32 to vector<1x16xf32>
    %div3A_260 = arith.divf %broadcast_in_dim3A_257, %div3A_259 : vector<1x16xf32>
    %sub3A_261 = vector.broadcast %div3A_260 : vector<1x16xf32> to vector<64x16xf32>
    %sub3A_262 = arith.subf %add3A_242, %sub3A_261 : vector<64x16xf32>
    %square3A_263 = arith.mulf %sub3A_262, %sub3A_262 : vector<64x16xf32>
    %convert_element_type3A_264 = arith.sitofp %jit3A_254 : i32 to f32
    %sub3A_265 = arith.constant 6.400000e+01 : f32
    %sub3A_266 = arith.subf %sub3A_265, %convert_element_type3A_264 : f32
    %reduce_sum3A_267 = arith.constant dense<0.000000e+00> : vector<16xf32>
    %reduce_sum3A_268 = vector.multi_reduction <add>, %square3A_263, %reduce_sum3A_267 [0] : vector<64x16xf32> to vector<16xf32>
    %div3A_269 = vector.broadcast %sub3A_266 : f32 to vector<16xf32>
    %div3A_270 = arith.divf %reduce_sum3A_268, %div3A_269 : vector<16xf32>
    %gt3A_271 = arith.constant 0.000000e+00 : f32
    %gt3A_272 = arith.cmpf ogt, %sub3A_266, %gt3A_271 : f32
    %jit3A_273 = arith.constant 0x7FC00000 : f32
    %broadcast_in_dim3A_274 = vector.broadcast %jit3A_273 : f32 to vector<16xf32>
    %select_n3A_275 = arith.select %gt3A_272, %div3A_270, %broadcast_in_dim3A_274 : vector<16xf32>
    %broadcast_in_dim3A_276 = vector.shape_cast %div3A_253 : vector<16xf32> to vector<1x16xf32>
    %sub3A_277 = vector.broadcast %broadcast_in_dim3A_276 : vector<1x16xf32> to vector<64x16xf32>
    %sub3A_278 = arith.subf %add3A_242, %sub3A_277 : vector<64x16xf32>
    %add3A_279 = arith.constant 9.99999974E-6 : f32
    %add3A_280 = vector.broadcast %add3A_279 : f32 to vector<16xf32>
    %add3A_281 = arith.addf %select_n3A_275, %add3A_280 : vector<16xf32>
    %sqrt3A_282 = math.sqrt %add3A_281 : vector<16xf32>
    %broadcast_in_dim3A_283 = vector.shape_cast %sqrt3A_282 : vector<16xf32> to vector<1x16xf32>
    %div3A_284 = vector.broadcast %broadcast_in_dim3A_283 : vector<1x16xf32> to vector<64x16xf32>
    %div3A_285 = arith.divf %sub3A_278, %div3A_284 : vector<64x16xf32>
    %mul3A_286 = vector.broadcast %get3A_245 : vector<1x16xf32> to vector<64x16xf32>
    %mul3A_287 = arith.mulf %div3A_285, %mul3A_286 : vector<64x16xf32>
    %add3A_288 = vector.broadcast %get3A_248 : vector<1x16xf32> to vector<64x16xf32>
    %add3A_289 = arith.addf %mul3A_287, %add3A_288 : vector<64x16xf32>
    %add3A_290 = arith.addf %add3A_289, %max3A_172 : vector<64x16xf32>
    %max3A_291 = arith.constant 0.000000e+00 : f32
    %max3A_292 = vector.broadcast %max3A_291 : f32 to vector<64x16xf32>
    %max3A_293 = arith.maximumf %add3A_290, %max3A_292 : vector<64x16xf32>
    %get3A_294 = arith.constant 0 : index
    %get3A_295 = arith.constant 0 : index
    %get3A_296 = vector.load %arg18[%get3A_294, %get3A_295] : memref<16x1xf32, #tpu.memory_space<vmem>>, vector<16x1xf32>
    %dot_general3A_297 = arith.constant dense<0.000000e+00> : vector<64x1xf32>
    %dot_general3A_298 = tpu.matmul %max3A_293, %get3A_296, %dot_general3A_297 {dimension_numbers = #tpu.dot_dimension_numbers<[1], [0], [0], [1], [0, 0, 1, 1], [], []>, transpose_lhs_hint = false} : vector<64x16xf32>, vector<16x1xf32>, vector<64x1xf32> -> vector<64x1xf32>
    %get3A_299 = arith.constant 0 : index
    %get3A_300 = arith.constant 0 : index
    %get3A_301 = vector.load %arg19[%get3A_299, %get3A_300] : memref<1x1xf32, #tpu.memory_space<vmem>>, vector<1x1xf32>
    %add3A_302 = vector.broadcast %get3A_301 : vector<1x1xf32> to vector<64x1xf32>
    %add3A_303 = arith.addf %dot_general3A_298, %add3A_302 : vector<64x1xf32>
    %swap3A = arith.constant 0 : index
    %swap3A_304 = arith.constant 0 : index
    %swap3A_305 = vector.load %arg20[%swap3A, %swap3A_304] : memref<64x1xf32, #tpu.memory_space<vmem>>, vector<64x1xf32>
    tpu.vector_store %arg20[%swap3A, %swap3A_304], %add3A_303 {strides = array<i32>} : memref<64x1xf32, #tpu.memory_space<vmem>>, vector<64x1xf32>,
    return
  }
}

</mosaic_0001>

<sc_bundles>
// kernel: kernel.5.cloned.1.call-start
scs
__scs_entry_jumppad:
0x0: {  	(pc) =	sbr.rel $0x88, $3  }
0x1: {  	(tag) =	ssettag $0x0;
	lr =	simm.s32 $0x1  }
0x2: {  	[smem:$0x3F87] =	sst lr;
	_ =	strace $0xD0000000  }
0x3: {  	_ = 	snop  }
0x4: {  	_ = 	snop  }
0x5: {  	_ = 	snop  }
0x6: {  	_ = 	snop  }
0x7: {  	_ = 	snop  }
__scs_overlays_trampoline_lowered:
0x8: {  	[smem:$0x3F96] =	sst s0  }
0x9: {  	[smem:$0x3F97] =	sst s1  }
0xa: {  	[smem:$0x3F98] =	sst s2  }
0xb: {  	[smem:$0x3F99] =	sst s3  }
0xc: {  	[smem:$0x3F9A] =	sst s4  }
0xd: {  	[smem:$0x3F9B] =	sst s5  }
0xe: {  	[smem:$0x3F9C] =	sst s6  }
0xf: {  	[smem:$0x3F9D] =	sst s7  }
0x10: {  	[smem:$0x3F9E] =	sst s8  }
0x11: {  	[smem:$0x3F9F] =	sst s9;
	s0 =	simm.s32 @!p0 $0x0  }
0x12: {  	s1 =	sld [smem:$0x3F85];
	s0 =	simm.s32 @p0 $0x1  }
0x13: {  	[smem:$0x3FA0] =	sst s0;
	s0 =	simm.s32 @!p1 $0x0  }
0x14: {  	s2 =	sld [smem:$0x3F84];
	s0 =	simm.s32 @p1 $0x1  }
0x15: {  	[smem:$0x3FA1] =	sst s0;
	s0 =	simm.s32 @!p2 $0x0  }
0x16: {  	s3 =	sld [smem:$0x3FDB];
	s0 =	simm.s32 @p2 $0x1  }
0x17: {  	s4 =	simm.s32 $0x1BF5;
	[smem:$0x3FA3] =	sst s0  }
0x18: {  	s0 =	sld [smem:$0x3F86];
	_ =	swait.ge [sflag:s4], $0x0  }
0x19: {  	s7 =	sld [smem:$0x3F87]  }
0x1a: {  	s8 =	sadd.s32 $0xFFFFE003, lr  }
0x1b: {  	s9 =	sadd.s32 $0xFFFFFEF7, lr;
	s5 =	simm.s32 $0xFFFFFFFF;
	p2 =	slt.u32 s8, $0xFFFFF086  }
0x1c: {  	p1 =	slt.u32 s9, $0xF7A;
	s5 =	simm.s32 @!p2 $0x0  }
0x1d: {  	s5 =	simm.s32 @p1 $0x1;
	p0 =	seq.s32 s7, s2  }
0x1e: {  	s7 =	smul.u32 @!p0 $0xF7A, s2;
	p2 =	seq.s32 @!p0 s5, $0x0  }
0x1f: {  	s9 =	smul.u32 $0xF7A, s1;
	s8 =	simm.s32 @!p0 $0x1BF5;
	p2 =	por !p2, p0  }
0x20: {  	[sflag:s8] =	ssyncset.s32 @!p0 $0xFFFFF086;
	s6 =	sadd.s32 @!p0 s3, s7;
	s7 =	simm.s32 @!p0 $0x108  }
0x21: {  	s3 =	sadd.s32 s3, s9;
	s6 =	sadd.s32 @!p0 $0x88, s6;
	s7 =	simm.s32 @p2 $0x1082  }
0x22: {  	[simem:s7], [sflag:s8] =	dma.local @!p0 [hbm:s6], $0xF7A  }
0x23: {  	s9 =	sor.u32 $0xD0000000, s2;
	s6 =	simm.s32 $0x108;
	_ =	swait.ge @!p0 [sflag:s8], $0x0  }
0x24: {  	s3 =	sadd.s32 $0x88, s3;
	s6 =	simm.s32 @!p1 $0x1082;
	[sflag:s4] =	ssyncset.s32 $0xFFFFF086  }
0x25: {  	[simem:s6], [sflag:s4] =	dma.local [hbm:s3], $0xF7A  }
0x26: {  	[smem:$0x3F87] =	sst s1;
	(tag) =	ssettag s2;
	_ =	strace s9  }
0x27: {  	s1 =	sld [smem:$0x3F97]  }
0x28: {  	s2 =	sld [smem:$0x3F98]  }
0x29: {  	s4 =	sld [smem:$0x3F9A]  }
0x2a: {  	p0 =	seq.s32 s5, $0x0;
	s5 =	sld [smem:$0x3F9B]  }
0x2b: {  	s6 =	sld [smem:$0x3F9C]  }
0x2c: {  	s7 =	sld [smem:$0x3F9D]  }
0x2d: {  	s3 =	simm.s32 $0x108;
	s8 =	sld [smem:$0x3F9E]  }
0x2e: {  	s3 =	simm.s32 @!p0 $0x1082;
	s9 =	sld [smem:$0x3F9F]  }
0x2f: {  	lr =	sadd.s32 s0, s3;
	s0 =	sld [smem:$0x3F96]  }
0x30: {  	s3 =	sld [smem:$0x3F99]  }
0x31: {  	[smem:$0x3FA2] =	sst s10  }
0x32: {  	s10 =	sld [smem:$0x3FA0];
	_ =	sdelay $0x3  }
0x33: {  	p0 =	seq.s32 s10, $0x1;
	s10 =	sld [smem:$0x3FA2];
	_ =	sdelay $0x3  }
0x34: {  	[smem:$0x3FA2] =	sst s10  }
0x35: {  	s10 =	sld [smem:$0x3FA1];
	_ =	sdelay $0x3  }
0x36: {  	p1 =	seq.s32 s10, $0x1;
	s10 =	sld [smem:$0x3FA2];
	_ =	sdelay $0x3  }
0x37: {  	[smem:$0x3FA2] =	sst s10  }
0x38: {  	s10 =	sld [smem:$0x3FA3]  }
0x39: {  	_ = 	snop;
	(pc) =	sbr.ind lr, $3  }
0x3a: {  	_ = 	snop  }
0x3b: {  	_ = 	snop  }
0x3c: {  	p2 =	seq.s32 s10, $0x1;
	s10 =	sld [smem:$0x3FA2]  }
0x3d: {  	_ =	shalt  }
0x3e: {  	_ =	shalt  }
0x3f: {  	_ =	shalt  }
0x40: {  	_ =	shalt  }
0x41: {  	_ =	shalt  }
0x42: {  	_ =	shalt  }
0x43: {  	_ =	shalt  }
0x44: {  	_ =	shalt  }
0x45: {  	_ =	shalt  }
0x46: {  	_ =	shalt  }
0x47: {  	_ =	shalt  }
0x48: {  	_ =	shalt  }
0x49: {  	_ =	shalt  }
0x4a: {  	_ =	shalt  }
0x4b: {  	_ =	shalt  }
0x4c: {  	_ =	shalt  }
0x4d: {  	_ =	shalt  }
0x4e: {  	_ =	shalt  }
0x4f: {  	_ =	shalt  }
0x50: {  	_ =	shalt  }
0x51: {  	_ =	shalt  }
0x52: {  	_ =	shalt  }
0x53: {  	_ =	shalt  }
0x54: {  	_ =	shalt  }
0x55: {  	_ =	shalt  }
0x56: {  	_ =	shalt  }
0x57: {  	_ =	shalt  }
0x58: {  	_ =	shalt  }
0x59: {  	_ =	shalt  }
0x5a: {  	_ =	shalt  }
0x5b: {  	_ =	shalt  }
0x5c: {  	_ =	shalt  }
0x5d: {  	_ =	shalt  }
0x5e: {  	_ =	shalt  }
0x5f: {  	_ =	shalt  }
0x60: {  	_ =	shalt  }
0x61: {  	_ =	shalt  }
0x62: {  	_ =	shalt  }
0x63: {  	_ =	shalt  }
0x64: {  	_ =	shalt  }
0x65: {  	_ =	shalt  }
0x66: {  	_ =	shalt  }
0x67: {  	_ =	shalt  }
0x68: {  	_ =	shalt  }
0x69: {  	_ =	shalt  }
0x6a: {  	_ =	shalt  }
0x6b: {  	_ =	shalt  }
0x6c: {  	_ =	shalt  }
0x6d: {  	_ =	shalt  }
0x6e: {  	_ =	shalt  }
0x6f: {  	_ =	shalt  }
0x70: {  	_ =	shalt  }
0x71: {  	_ =	shalt  }
0x72: {  	_ =	shalt  }
0x73: {  	_ =	shalt  }
0x74: {  	_ =	shalt  }
0x75: {  	_ =	shalt  }
0x76: {  	_ =	shalt  }
0x77: {  	_ =	shalt  }
0x78: {  	_ =	shalt  }
0x79: {  	_ =	shalt  }
0x7a: {  	_ =	shalt  }
0x7b: {  	_ =	shalt  }
0x7c: {  	_ =	shalt  }
0x7d: {  	_ =	shalt  }
0x7e: {  	_ =	shalt  }
0x7f: {  	_ =	shalt  }
0x80: {  	_ =	shalt  }
0x81: {  	_ =	shalt  }
0x82: {  	_ =	shalt  }
0x83: {  	_ =	shalt  }
0x84: {  	_ =	shalt  }
0x85: {  	_ =	shalt  }
0x86: {  	_ =	shalt  }
0x87: {  	_ =	shalt  }
.Lfunc_end0:
.L_simem_size_0:
called_computation_lowered:
.L_overlay_start_0:
0x88: {  	s2 =	sld [smem:$0x3FD9]  }
0x89: {  	s3 =	sld [smem:$0x3FFE];
	_ =	sdelay $0x1  }
0x8a: {  	s1 =	srdreg.scid  }
0x8b: {  	s0 =	sand.u32 $0x1, s1  }
0x8c: {  	s16 =	sshll.u32 s0, $0xA;
	s2 =	sadd.s32 s3, s2  }
0x8d: {  	s2 =	sadd.s32 s2, s16  }
0x8e: {  	[smem:$0x3FAE] =	sst s2  }
0x8f: {  	_ = 	snop  }
0x90: {  	(tm) =	ssettm $0x1  }
0x91: {  	s17 =	sld [smem:$0x3FFB];
	_ =	sdelay $0x3  }
0x92: {  	_ =	strace s17  }
0x93: {  	s2 =	sld [smem:$0x3FFC];
	_ =	sdelay $0x3  }
0x94: {  	_ =	strace s2  }
0x95: {  	s2 =	sld [smem:$0x3FFD];
	_ =	sdelay $0x3  }
0x96: {  	_ =	strace s2  }
0x97: {  	_ =	strace $0x8FFFFFFF  }
0x98: {  	s18 =	sld [smem:$0x3FDB];
	_ =	sdelay $0x1  }
0x99: {  	s19 =	simm.s32 $_scs_section_size  }
0x9a: {  	s4 =	simm.s32 $_size__tile_overlayer_lowered;
	s5 =	simm.s32 $_tile_overlayer_lowered  }
0x9b: {  	s22 =	simm.s32 $0x1BFF;
	s21 =	sshll.u32 s5, $0x1;
	s2 =	sadd.s32 s19, s18  }
0x9c: {  	s6 =	simm.s32 $0x0;
	s20 =	sshll.u32 s4, $0x1;
	s4 =	sadd.s32 s21, s2  }
0x9d: {  	[timem:s6], [sflag:s22] =	dma.local [hbm:s4], s20  }
0x9e: {  	_ =	swait.ge [sflag:s22], s20  }
0x9f: {  	s3 =	ssub.s32 $0x0, s20;
	[sflag:s22] =	ssyncset.done $0x0  }
0xa0: {  	[sflag:s22] =	ssyncadd.s32 s3;
	_ =	sdelay $0x1  }
0xa1: {  	s23 =	simm.s32 $0x1B8B  }
0xa2: {  	_ =	swait.ge [sflag:s23], $0x1  }
0xa3: {  	[sflag:s23] =	ssyncset.done $0x0  }
0xa4: {  	s25 =	simm.s32 $0x1B8E;
	s24 =	sld [smem:$0x3FFE];
	[sflag:s23] =	ssyncadd.s32 $0xFFFFFFFF  }
0xa5: {  	s26 =	simm.s32 $execute0_lowered;
	[smem:$0x3FD2] =	sst s25  }
0xa6: {  	s4 =	sshll.u32 s26, $0x1;
	_ =	strace $0x80000046;
	[dreg:$0x1] =	wrdreg $0xFFFFFFFF  }
0xa7: {  	s28 =	simm.s32 $_size_execute0_lowered;
	s2 =	sadd.s32 s2, s4;
	[dreg:$0x0] =	wrdreg $0x0  }
0xa8: {  	s4 =	sshll.u32 s28, $0x1;
	[dreg:$0x2] =	wrdreg s2  }
0xa9: {  	[dreg:$0x3] =	wrdreg s4  }
0xaa: {  	[dreg:$0x4] =	wrdreg $0xC0  }
0xab: {  	_ =	task [dreg:s6], $0x5FFFF  }
0xac: {  	[dreg:$0x1] =	wrdreg $0xFFFFFFFF  }
0xad: {  	[dreg:$0x0] =	wrdreg $0x60  }
0xae: {  	[dreg:$0x2] =	wrdreg s24  }
0xaf: {  	[dreg:$0x3] =	wrdreg $0x101100  }
0xb0: {  	[dreg:$0x4] =	wrdreg $0xFE900  }
0xb1: {  	[dreg:$0x5] =	wrdreg $0x9  }
0xb2: {  	_ =	task.clear_ibuf [dreg:s6], $0x6FFFF;
	_ =	strace $0x90000046  }
0xb3: {  	s29 =	simm.s32 $0x9;
	_ =	strace $0x80000048  }
0xb4: {  	_ =	swait.ge [sflag:s29], $0x1  }
0xb5: {  	[sflag:s29] =	ssyncadd.s32 $0xFFFFFFFF  }
0xb6: {  	_ =	strace $0x90000048  }
0xb7: {  	_ =	sfence  }
0xb8: {  	s30 =	sld [smem:$0x0];
	_ =	sdelay $0x2  }
0xb9: {  	s31 =	sshll.u32 s1, $0xD;
	s1 =	sshrl.u32 s1, $0x2  }
0xba: {  	s3 =	sand.u32 $0x4000, s31;
	s1 =	sadd.s32 s1, s30  }
0xbb: {  	s0 =	sor.u32 s3, s0;
	s1 =	sshll.u32 s1, $0x11  }
0xbc: {  	s0 =	sor.u32 s1, s0  }
0xbd: {  	s0 =	sadd.s32 $0x8F2B, s0  }
0xbe: {  	[sflag:s0] =	ssyncadd.remote.s32 $0x1  }
0xbf: {  	_ =	sfence.sel $0xFFFF  }
0xc0: {  	[dreg:$0x0] =	wrdreg $0xFFFFFFFF;
	(pc) =	sbr.abs _section_cstart, $3  }
0xc1: {  	[dreg:$0x1] =	wrdreg $0xFFFFFFFF  }
0xc2: {  	_ =	task.clear_ibuf [dreg:s6], $0x2FFFF;
	_ =	strace $0x9FFFFFFF  }
0xc3: {  	(tm) =	ssettm $0x7FFFFFFF  }
tec
execute0_lowered:
.L_overlay_start_1:
0x0: {  	(tag) =	ssettag $0x1  }
0x1: {  	s0 =	rddreg [dreg:$0x0]  }
0x2: {  	s2 =	rddreg [dreg:$0x1];
	s1 =	srdreg.scid  }
0x3: {  	s11 =	stileid.u32;
	s3 =	rddreg [dreg:$0x2];
	s4 =	simm.s32 $0x0  }
0x4: {  	s20 =	simm.s32 $0x7980;
	s21 =	simm.s32 $0xA180;
	s23 =	simm.s32 $0xFE80  }
0x5: {  	s25 =	simm.s32 $0x80;
	s26 =	simm.s32 $0xC980;
	s28 =	simm.s32 $0x1  }
0x6: {  	s29 =	simm.s32 $0xFC00;
	s30 =	simm.s32 $0x0;
	s1 =	sand.u32 $0x1, s1  }
0x7: {  	s5 =	sshll.u32 s11, $0x1;
	[smem:$0x7FF] =	sst s4;
	s14 =	smul.u32 $0x2800, s11  }
0x8: {  	s6 =	sadd.s32 $0x3000, s0;
	s7 =	sadd.s32 $0x2B200, s0;
	s16 =	smul.u32 $0x280, s11  }
0x9: {  	s8 =	sadd.s32 $0x22200, s0;
	s5 =	sor.u32 s1, s5;
	s9 =	smul.u32 $0x500, s1  }
0xa: {  	_ =	strace $0x80000047;
	s10 =	smul.u32 $0x5000, s1;
	s1 =	ssub.s32 $0x2, s1  }
0xb: {  	s5 =	smul.u32 $0x510, s5;
	s31 =	sshrl.u32 s1, $0x1;
	s18 =	sshrl.u32 s16, $0x3  }
0xc: {  	s19 =	sshrl.u32 s14, $0x3;
	s15 =	sadd.s32 s9, s0;
	s1 =	ssub.s32 s1, s31  }
0xd: {  	s9 =	sadd.s32 s14, s2;
	s13 =	sadd.s32 s5, s0;
	s5 =	sadd.s32 $0x3600, s0  }
0xe: {  	s0 =	sadd.s32 s10, s0;
	s10 =	sadd.s32 s16, s3;
	s17 =	sadd.s32 $0x22400, s15  }
0xf: {  	s14 =	smax.u32 s1, $0x1;
	s15 =	simm.s32 $0xD180;
	s16 =	simm.s32 $0x2  }
0x10: {  	s11 =	sadd.s32 $0xDE00, s13;
	s12 =	sadd.s32 $0x3C00, s13;
	s0 =	sadd.s32 $0x30200, s0  }
0x11: {  	v0 =	vimm.f32 $0.0e+00;
	s13 =	sadd.s32 $0x18000, s13;
	s22 =	sadd.s32 s18, s17;
	s24 =	sadd.s32 s19, s0  }
.LBB2_1:
0x12: {  	s0 =	simm.s32 $0x40;
	s1 =	simm.s32 $0x0  }
.LBB2_2:
0x13: {  	p0 =	sne.s32 s0, $0x9FC0;
	[tilespmem:s1+$0xD180] =	vst v0;
	s1 =	smov.u32 s0;
	s0 =	sadd.s32 $0x40, s0  }
.Ltmp0:
0x14: {  	(pc) =	sbr.rel @p0 .LBB2_2-.Ltmp0, $2  }
0x15: {  	_ =	sdelay $0x2  }
0x16: {  	s1 =	sshra.s32 s1, $0x2  }
0x17: {  	[tilespmem:s1+$0xD180] =	vst v0  }
0x18: {  	[tilespmem:$0xF980] =	vst v0  }
0x19: {  	[tilespmem:$0xF990] =	vst v0  }
0x1a: {  	[tilespmem:$0xF9A0] =	vst v0  }
0x1b: {  	[tilespmem:$0xF9B0] =	vst v0  }
0x1c: {  	[tilespmem:$0xF9C0] =	vst v0  }
0x1d: {  	[tilespmem:$0xF9D0] =	vst v0  }
0x1e: {  	[tilespmem:$0xF9E0] =	vst v0  }
0x1f: {  	[tilespmem:$0xF9F0] =	vst v0  }
0x20: {  	[tilespmem:$0xFA00] =	vst v0  }
0x21: {  	[tilespmem:$0xFA10] =	vst v0  }
0x22: {  	[tilespmem:$0xFA20] =	vst v0  }
0x23: {  	[tilespmem:$0xFA30] =	vst v0  }
0x24: {  	[tilespmem:$0xFA40] =	vst v0  }
0x25: {  	[tilespmem:$0xFA50] =	vst v0  }
0x26: {  	[tilespmem:$0xFA60] =	vst v0  }
0x27: {  	[tilespmem:$0xFA70] =	vst v0  }
0x28: {  	[tilespmem:$0xFA80] =	vst v0  }
0x29: {  	[tilespmem:$0xFA90] =	vst v0  }
0x2a: {  	[tilespmem:$0xFAA0] =	vst v0  }
0x2b: {  	[tilespmem:$0xFAB0] =	vst v0  }
0x2c: {  	[tilespmem:$0xFAC0] =	vst v0  }
0x2d: {  	[tilespmem:$0xFAD0] =	vst v0  }
0x2e: {  	[tilespmem:$0xFAE0] =	vst v0  }
0x2f: {  	[tilespmem:$0xFAF0] =	vst v0  }
0x30: {  	[tilespmem:$0xFB00] =	vst v0  }
0x31: {  	[tilespmem:$0xFB10] =	vst v0  }
0x32: {  	[tilespmem:$0xFB20] =	vst v0  }
0x33: {  	[tilespmem:$0xFB30] =	vst v0  }
0x34: {  	[tilespmem:$0xFB40] =	vst v0  }
0x35: {  	[tilespmem:$0xFB50] =	vst v0  }
0x36: {  	[tilespmem:$0xFB60] =	vst v0  }
0x37: {  	[tilespmem:$0xFB70] =	vst v0  }
0x38: {  	[tilespmem:$0xFB80] =	vst v0  }
0x39: {  	[tilespmem:$0xFB90] =	vst v0  }
0x3a: {  	[tilespmem:$0xFBA0] =	vst v0  }
0x3b: {  	[tilespmem:$0xFBB0] =	vst v0  }
0x3c: {  	[tilespmem:$0xFBC0] =	vst v0  }
0x3d: {  	[tilespmem:$0xFBD0] =	vst v0  }
0x3e: {  	[tilespmem:$0xFBE0] =	vst v0  }
0x3f: {  	[tilespmem:$0xFBF0] =	vst v0  }
0x40: {  	[spmem:s9] =	stream.linear.scatter [tilespmem:s15], [sflag:$0x2], $0x2800, $0x38;
	[tilespmem:$0x12910] =	vst v63  }
0x41: {  	_ =	swait.ge [sflag:s16], $0x2800  }
0x42: {  	[sflag:s16] =	ssyncset.done $0x0  }
0x43: {  	s0 =	simm.s32 $0xF980;
	[sflag:s16] =	ssyncadd.s32 $0xFFFFD800  }
0x44: {  	[spmem:s10] =	stream.linear.scatter [tilespmem:s0], [sflag:$0x2], $0x280, $0x38;
	[tilespmem:$0x12910] =	vst v63  }
0x45: {  	_ =	swait.ge [sflag:s16], $0x280  }
0x46: {  	[sflag:s16] =	ssyncset.done $0x0  }
0x47: {  	s17 =	simm.s32 $0x0;
	[sflag:s16] =	ssyncadd.s32 $0xFFFFFD80  }
0x48: {  	[tilespmem:s17], [sflag:$0x2] =	stream.linear.gather [hbm4b:s11+s17], $0x2880, $0x38;
	[tilespmem:$0x12910] =	vst v63  }
0x49: {  	_ =	swait.ge [sflag:s16], $0x2880  }
0x4a: {  	[sflag:s16] =	ssyncset.done $0x0  }
0x4b: {  	s18 =	simm.s32 $0x2880;
	[sflag:s16] =	ssyncadd.s32 $0xFFFFD780  }
0x4c: {  	[tilespmem:s18], [sflag:$0x2] =	stream.linear.gather [hbm4b:s12+s17], $0x2880, $0x38;
	[tilespmem:$0x12910] =	vst v63  }
0x4d: {  	_ =	swait.ge [sflag:s16], $0x2880  }
0x4e: {  	[sflag:s16] =	ssyncset.done $0x0  }
0x4f: {  	s19 =	simm.s32 $0x5100;
	[sflag:s16] =	ssyncadd.s32 $0xFFFFD780  }
0x50: {  	[tilespmem:s19], [sflag:$0x2] =	stream.linear.gather [hbm4b:s13+s17], $0x2880, $0x38;
	[tilespmem:$0x12910] =	vst v63  }
0x51: {  	_ =	swait.ge [sflag:s16], $0x2880  }
0x52: {  	[sflag:s16] =	ssyncset.done $0x0  }
0x53: {  	[sflag:s16] =	ssyncadd.s32 $0xFFFFD780  }
0x54: {  	[tilespmem:s20], [sflag:$0x2] =	stream.linear.gather [hbm4b:s5+s17], $0x2800, $0x38;
	[tilespmem:$0x12910] =	vst v63  }
0x55: {  	_ =	swait.ge [sflag:s16], $0x2800  }
0x56: {  	[sflag:s16] =	ssyncset.done $0x0  }
0x57: {  	[sflag:s16] =	ssyncadd.s32 $0xFFFFD800  }
0x58: {  	[tilespmem:s21], [sflag:$0x2] =	stream.linear.gather [hbm4b:s6+s17], $0x2800, $0x38;
	[tilespmem:$0x12910] =	vst v63  }
0x59: {  	_ =	swait.ge [sflag:s16], $0x2800  }
0x5a: {  	[sflag:s16] =	ssyncset.done $0x0  }
0x5b: {  	[sflag:s16] =	ssyncadd.s32 $0xFFFFD800  }
0x5c: {  	[tilespmem:s23], [sflag:$0x2] =	stream.linear.gather [hbm4b:s8+s17], $0x10, $0x38;
	[tilespmem:$0x12910] =	vst v63  }
0x5d: {  	_ =	swait.ge [sflag:s16], $0x10  }
0x5e: {  	[sflag:s16] =	ssyncset.done $0x0  }
0x5f: {  	s31 =	simm.s32 $0x0;
	[sflag:s16] =	ssyncadd.s32 $0xFFFFFFF0  }
0x60: {  	v2 =	vld [tilespmem:s31+$0x0]  }
0x61: {  	v3 =	vld [tilespmem:s31+$0x2880];
	_ =	sdelay $0x4  }
0x62: {  	v1 =	vld [tilespmem:$0xFE80]  }
0x63: {  	v4 =	vld [tilespmem:s31+$0x5100]  }
0x64: {  	v2 =	vld.idx.msk [tilespmem:v2+s20+$0x0], $0xffff  }
0x65: {  	v3 =	vld.idx.msk [tilespmem:v3+s21+$0x0], $0xffff;
	_ =	sdelay $0x4  }
0x66: {  	v4 =	vmul.f32 v4, v1;
	v2 =	vadd.f32 v3, v2;
	_ =	sdelay $0x1  }
0x67: {  	v2 =	vadd.f32 v4, v2;
	_ =	sdelay $0x1  }
0x68: {  	v3 =	vmul.f32 $2.000000030e-01, v2  }
0x69: {  	vm0 =	vgt.f32 v2, $0.0e+00  }
0x6a: {  	v2 =	vsel vm0, v2, v3  }
0x6b: {  	v2 =	vmul.f32 $1.442695020e+00, v2;
	_ =	sdelay $0x1  }
0x6c: {  	(erf) = vpow2.f32 v2;
	_ =	sdelay $0x2  }
0x6d: {  	v2 =	vld [tilespmem:s31+$0x10]  }
0x6e: {  	v3 =	vld [tilespmem:s31+$0x2890];
	_ =	sdelay $0x4  }
0x6f: {  	v51 =	vpop (erf)  }
0x70: {  	v52 =	vld [tilespmem:s31+$0x5110];
	[tilespmem:s31+$0x5100] =	vst v51  }
0x71: {  	v2 =	vld.idx.msk [tilespmem:v2+s20+$0x0], $0xffff  }
0x72: {  	v3 =	vld.idx.msk [tilespmem:v3+s21+$0x0], $0xffff;
	_ =	sdelay $0x4  }
0x73: {  	v4 =	vmul.f32 v52, v1;
	v2 =	vadd.f32 v3, v2;
	_ =	sdelay $0x1  }
0x74: {  	v2 =	vadd.f32 v4, v2;
	_ =	sdelay $0x1  }
0x75: {  	v3 =	vmul.f32 $2.000000030e-01, v2  }
0x76: {  	vm9 =	vgt.f32 v2, $0.0e+00  }
0x77: {  	v2 =	vsel vm9, v2, v3  }
0x78: {  	v2 =	vmul.f32 $1.442695020e+00, v2;
	_ =	sdelay $0x1  }
0x79: {  	(erf) = vpow2.f32 v2;
	_ =	sdelay $0x2  }
0x7a: {  	v2 =	vld [tilespmem:s31+$0x20]  }
0x7b: {  	v3 =	vld [tilespmem:s31+$0x28A0];
	_ =	sdelay $0x4  }
0x7c: {  	v53 =	vpop (erf)  }
0x7d: {  	v54 =	vld [tilespmem:s31+$0x5120];
	[tilespmem:s31+$0x5110] =	vst v53  }
0x7e: {  	v2 =	vld.idx.msk [tilespmem:v2+s20+$0x0], $0xffff  }
0x7f: {  	v3 =	vld.idx.msk [tilespmem:v3+s21+$0x0], $0xffff;
	_ =	sdelay $0x4  }
0x80: {  	v4 =	vmul.f32 v54, v1;
	v2 =	vadd.f32 v3, v2;
	_ =	sdelay $0x1  }
0x81: {  	v2 =	vadd.f32 v4, v2;
	_ =	sdelay $0x1  }
0x82: {  	v3 =	vmul.f32 $2.000000030e-01, v2  }
0x83: {  	vm10 =	vgt.f32 v2, $0.0e+00  }
0x84: {  	v2 =	vsel vm10, v2, v3  }
0x85: {  	v2 =	vmul.f32 $1.442695020e+00, v2;
	_ =	sdelay $0x1  }
0x86: {  	(erf) = vpow2.f32 v2;
	_ =	sdelay $0x2  }
0x87: {  	v2 =	vld [tilespmem:s31+$0x30]  }
0x88: {  	v3 =	vld [tilespmem:s31+$0x28B0];
	_ =	sdelay $0x4  }
0x89: {  	v5 =	vpop (erf)  }
0x8a: {  	v55 =	vld [tilespmem:s31+$0x5130];
	[tilespmem:s31+$0x5120] =	vst v5  }
0x8b: {  	v2 =	vld.idx.msk [tilespmem:v2+s20+$0x0], $0xffff  }
0x8c: {  	v3 =	vld.idx.msk [tilespmem:v3+s21+$0x0], $0xffff;
	_ =	sdelay $0x4  }
0x8d: {  	v4 =	vmul.f32 v55, v1;
	v2 =	vadd.f32 v3, v2;
	_ =	sdelay $0x1  }
0x8e: {  	v2 =	vadd.f32 v4, v2;
	_ =	sdelay $0x1  }
0x8f: {  	v3 =	vmul.f32 $2.000000030e-01, v2  }
0x90: {  	vm11 =	vgt.f32 v2, $0.0e+00  }
0x91: {  	v2 =	vsel vm11, v2, v3  }
0x92: {  	v2 =	vmul.f32 $1.442695020e+00, v2;
	_ =	sdelay $0x1  }
0x93: {  	(erf) = vpow2.f32 v2;
	_ =	sdelay $0x2  }
0x94: {  	v2 =	vld [tilespmem:s31+$0x40]  }
0x95: {  	v3 =	vld [tilespmem:s31+$0x28C0];
	_ =	sdelay $0x4  }
0x96: {  	v57 =	vpop (erf)  }
0x97: {  	v56 =	vld [tilespmem:s31+$0x5140];
	[tilespmem:s31+$0x5130] =	vst v57  }
0x98: {  	v2 =	vld.idx.msk [tilespmem:v2+s20+$0x0], $0xffff  }
0x99: {  	v3 =	vld.idx.msk [tilespmem:v3+s21+$0x0], $0xffff;
	_ =	sdelay $0x4  }
0x9a: {  	v4 =	vmul.f32 v56, v1;
	v2 =	vadd.f32 v3, v2;
	_ =	sdelay $0x1  }
0x9b: {  	v2 =	vadd.f32 v4, v2;
	_ =	sdelay $0x1  }
0x9c: {  	v3 =	vmul.f32 $2.000000030e-01, v2  }
0x9d: {  	vm12 =	vgt.f32 v2, $0.0e+00  }
0x9e: {  	v2 =	vsel vm12, v2, v3  }
0x9f: {  	v2 =	vmul.f32 $1.442695020e+00, v2;
	_ =	sdelay $0x1  }
0xa0: {  	(erf) = vpow2.f32 v2;
	_ =	sdelay $0x2  }
0xa1: {  	v2 =	vld [tilespmem:s31+$0x50]  }
0xa2: {  	v3 =	vld [tilespmem:s31+$0x28D0];
	_ =	sdelay $0x4  }
0xa3: {  	v59 =	vpop (erf)  }
0xa4: {  	v58 =	vld [tilespmem:s31+$0x5150];
	[tilespmem:s31+$0x5140] =	vst v59  }
0xa5: {  	v2 =	vld.idx.msk [tilespmem:v2+s20+$0x0], $0xffff  }
0xa6: {  	v3 =	vld.idx.msk [tilespmem:v3+s21+$0x0], $0xffff;
	_ =	sdelay $0x4  }
0xa7: {  	v4 =	vmul.f32 v58, v1;
	v2 =	vadd.f32 v3, v2;
	_ =	sdelay $0x1  }
0xa8: {  	v2 =	vadd.f32 v4, v2;
	_ =	sdelay $0x1  }
0xa9: {  	v3 =	vmul.f32 $2.000000030e-01, v2  }
0xaa: {  	vm13 =	vgt.f32 v2, $0.0e+00  }
0xab: {  	v2 =	vsel vm13, v2, v3  }
0xac: {  	v2 =	vmul.f32 $1.442695020e+00, v2;
	_ =	sdelay $0x1  }
0xad: {  	(erf) = vpow2.f32 v2;
	_ =	sdelay $0x2  }
0xae: {  	v2 =	vld [tilespmem:s31+$0x60]  }
0xaf: {  	v3 =	vld [tilespmem:s31+$0x28E0];
	_ =	sdelay $0x4  }
0xb0: {  	v61 =	vpop (erf)  }
0xb1: {  	v60 =	vld [tilespmem:s31+$0x5160];
	[tilespmem:s31+$0x5150] =	vst v61  }
0xb2: {  	v2 =	vld.idx.msk [tilespmem:v2+s20+$0x0], $0xffff  }
0xb3: {  	v3 =	vld.idx.msk [tilespmem:v3+s21+$0x0], $0xffff;
	_ =	sdelay $0x4  }
0xb4: {  	v4 =	vmul.f32 v60, v1;
	v2 =	vadd.f32 v3, v2;
	_ =	sdelay $0x1  }
0xb5: {  	v2 =	vadd.f32 v4, v2;
	_ =	sdelay $0x1  }
0xb6: {  	v3 =	vmul.f32 $2.000000030e-01, v2  }
0xb7: {  	vm14 =	vgt.f32 v2, $0.0e+00  }
0xb8: {  	v2 =	vsel vm14, v2, v3  }
0xb9: {  	v2 =	vmul.f32 $1.442695020e+00, v2;
	_ =	sdelay $0x1  }
0xba: {  	(erf) = vpow2.f32 v2;
	_ =	sdelay $0x2  }
0xbb: {  	v2 =	vld [tilespmem:s31+$0x70]  }
0xbc: {  	v3 =	vld [tilespmem:s31+$0x28F0];
	_ =	sdelay $0x4  }
0xbd: {  	v63 =	vpop (erf)  }
0xbe: {  	v62 =	vld [tilespmem:s31+$0x5170];
	[tilespmem:s31+$0x5160] =	vst v63  }
0xbf: {  	v2 =	vld.idx.msk [tilespmem:v2+s20+$0x0], $0xffff  }
0xc0: {  	v3 =	vld.idx.msk [tilespmem:v3+s21+$0x0], $0xffff;
	_ =	sdelay $0x4  }
0xc1: {  	v4 =	vmul.f32 v62, v1;
	v2 =	vadd.f32 v3, v2;
	_ =	sdelay $0x1  }
0xc2: {  	v2 =	vadd.f32 v4, v2;
	_ =	sdelay $0x1  }
0xc3: {  	v3 =	vmul.f32 $2.000000030e-01, v2  }
0xc4: {  	vm15 =	vgt.f32 v2, $0.0e+00  }
0xc5: {  	v2 =	vsel vm15, v2, v3  }
0xc6: {  	v2 =	vmul.f32 $1.442695020e+00, v2;
	_ =	sdelay $0x1  }
0xc7: {  	s1 =	simm.s32 $0x200;
	s0 =	simm.s32 $0x400;
	(erf) = vpow2.f32 v2  }
.LBB2_4:
0xc8: {  	p0 =	sne.s32 s0, $0xA000  }
0xc9: {  	s17 =	sshra.s32 s1, $0x2;
	s1 =	smov.u32 s0;
	s0 =	sadd.s32 $0x200, s0  }
0xca: {  	v2 =	vld [tilespmem:s17+$0x0]  }
0xcb: {  	v3 =	vld [tilespmem:s17+$0x2880];
	_ =	sdelay $0x4  }
0xcc: {  	v4 =	vpop (erf)  }
0xcd: {  	v5 =	vld [tilespmem:s17+$0x5100];
	[tilespmem:s31+$0x5170] =	vst v4;
	s31 =	smov.u32 s17  }
0xce: {  	v2 =	vld.idx.msk [tilespmem:v2+s20+$0x0], $0xffff  }
0xcf: {  	v3 =	vld.idx.msk [tilespmem:v3+s21+$0x0], $0xffff;
	_ =	sdelay $0x4  }
0xd0: {  	v4 =	vmul.f32 v5, v1  }
0xd1: {  	v2 =	vadd.f32 v3, v2;
	_ =	sdelay $0x1  }
0xd2: {  	v2 =	vadd.f32 v4, v2;
	_ =	sdelay $0x1  }
0xd3: {  	vm0 =	vgt.f32 v2, $0.0e+00;
	v3 =	vmul.f32 $2.000000030e-01, v2;
	_ =	sdelay $0x1  }
0xd4: {  	v2 =	vsel vm0, v2, v3  }
0xd5: {  	v2 =	vmul.f32 $1.442695020e+00, v2;
	_ =	sdelay $0x1  }
0xd6: {  	(erf) = vpow2.f32 v2;
	_ =	sdelay $0x1  }
0xd7: {  	v2 =	vld [tilespmem:s31+$0x2890]  }
0xd8: {  	v3 =	vld [tilespmem:s31+$0x10];
	_ =	sdelay $0x5  }
0xd9: {  	v4 =	vpop (erf)  }
0xda: {  	[tilespmem:s31+$0x5100] =	vst v4;
	v4 =	vld [tilespmem:s31+$0x5110]  }
0xdb: {  	v3 =	vld.idx.msk [tilespmem:v3+s20+$0x0], $0xffff  }
0xdc: {  	v2 =	vld.idx.msk [tilespmem:v2+s21+$0x0], $0xffff;
	_ =	sdelay $0x3  }
0xdd: {  	v4 =	vmul.f32 v4, v1;
	_ =	sdelay $0x1  }
0xde: {  	v2 =	vadd.f32 v2, v3;
	_ =	sdelay $0x1  }
0xdf: {  	v2 =	vadd.f32 v4, v2;
	_ =	sdelay $0x1  }
0xe0: {  	vm0 =	vgt.f32 v2, $0.0e+00;
	v3 =	vmul.f32 $2.000000030e-01, v2;
	_ =	sdelay $0x1  }
0xe1: {  	v2 =	vsel vm0, v2, v3  }
0xe2: {  	v2 =	vmul.f32 $1.442695020e+00, v2;
	_ =	sdelay $0x1  }
0xe3: {  	(erf) = vpow2.f32 v2;
	_ =	sdelay $0x1  }
0xe4: {  	v2 =	vld [tilespmem:s31+$0x28A0]  }
0xe5: {  	v3 =	vld [tilespmem:s31+$0x20];
	_ =	sdelay $0x5  }
0xe6: {  	v4 =	vpop (erf)  }
0xe7: {  	[tilespmem:s31+$0x5110] =	vst v4;
	v4 =	vld [tilespmem:s31+$0x5120]  }
0xe8: {  	v3 =	vld.idx.msk [tilespmem:v3+s20+$0x0], $0xffff  }
0xe9: {  	v2 =	vld.idx.msk [tilespmem:v2+s21+$0x0], $0xffff;
	_ =	sdelay $0x2  }
0xea: {  	v4 =	vmul.f32 v4, v1;
	_ =	sdelay $0x2  }
0xeb: {  	v2 =	vadd.f32 v2, v3;
	_ =	sdelay $0x1  }
0xec: {  	v2 =	vadd.f32 v4, v2;
	_ =	sdelay $0x1  }
0xed: {  	vm0 =	vgt.f32 v2, $0.0e+00;
	v3 =	vmul.f32 $2.000000030e-01, v2;
	_ =	sdelay $0x1  }
0xee: {  	v2 =	vsel vm0, v2, v3  }
0xef: {  	v2 =	vmul.f32 $1.442695020e+00, v2;
	_ =	sdelay $0x1  }
0xf0: {  	(erf) = vpow2.f32 v2;
	_ =	sdelay $0x1  }
0xf1: {  	v2 =	vld [tilespmem:s31+$0x28B0]  }
0xf2: {  	v3 =	vld [tilespmem:s31+$0x30];
	_ =	sdelay $0x5  }
0xf3: {  	v4 =	vld [tilespmem:s31+$0x5130];
	v5 =	vpop (erf)  }
0xf4: {  	[tilespmem:s31+$0x5120] =	vst v5  }
0xf5: {  	v3 =	vld.idx.msk [tilespmem:v3+s20+$0x0], $0xffff  }
0xf6: {  	v2 =	vld.idx.msk [tilespmem:v2+s21+$0x0], $0xffff;
	_ =	sdelay $0x1  }
0xf7: {  	v4 =	vmul.f32 v4, v1;
	_ =	sdelay $0x3  }
0xf8: {  	v2 =	vadd.f32 v2, v3;
	_ =	sdelay $0x1  }
0xf9: {  	v2 =	vadd.f32 v4, v2;
	_ =	sdelay $0x1  }
0xfa: {  	vm0 =	vgt.f32 v2, $0.0e+00;
	v3 =	vmul.f32 $2.000000030e-01, v2;
	_ =	sdelay $0x1  }
0xfb: {  	v2 =	vsel vm0, v2, v3  }
0xfc: {  	v2 =	vmul.f32 $1.442695020e+00, v2;
	_ =	sdelay $0x1  }
0xfd: {  	(erf) = vpow2.f32 v2;
	_ =	sdelay $0x1  }
0xfe: {  	v2 =	vld [tilespmem:s31+$0x28C0]  }
0xff: {  	v3 =	vld [tilespmem:s31+$0x40];
	_ =	sdelay $0x4  }
0x100: {  	v4 =	vld [tilespmem:s31+$0x5140]  }
0x101: {  	v5 =	vpop (erf)  }
0x102: {  	[tilespmem:s31+$0x5130] =	vst v5  }
0x103: {  	v3 =	vld.idx.msk [tilespmem:v3+s20+$0x0], $0xffff  }
0x104: {  	v2 =	vld.idx.msk [tilespmem:v2+s21+$0x0], $0xffff  }
0x105: {  	v4 =	vmul.f32 v4, v1;
	_ =	sdelay $0x4  }
0x106: {  	v2 =	vadd.f32 v2, v3;
	_ =	sdelay $0x1  }
0x107: {  	v2 =	vadd.f32 v4, v2;
	_ =	sdelay $0x1  }
0x108: {  	vm0 =	vgt.f32 v2, $0.0e+00;
	v3 =	vmul.f32 $2.000000030e-01, v2;
	_ =	sdelay $0x1  }
0x109: {  	v2 =	vsel vm0, v2, v3  }
0x10a: {  	v2 =	vmul.f32 $1.442695020e+00, v2;
	_ =	sdelay $0x1  }
0x10b: {  	(erf) = vpow2.f32 v2;
	_ =	sdelay $0x1  }
0x10c: {  	v2 =	vld [tilespmem:s31+$0x28D0]  }
0x10d: {  	v3 =	vld [tilespmem:s31+$0x50];
	_ =	sdelay $0x3  }
0x10e: {  	v4 =	vld [tilespmem:s31+$0x5150];
	_ =	sdelay $0x1  }
0x10f: {  	v5 =	vpop (erf)  }
0x110: {  	[tilespmem:s31+$0x5140] =	vst v5  }
0x111: {  	v3 =	vld.idx.msk [tilespmem:v3+s20+$0x0], $0xffff  }
0x112: {  	v2 =	vld.idx.msk [tilespmem:v2+s21+$0x0], $0xffff;
	v4 =	vmul.f32 v4, v1;
	_ =	sdelay $0x5  }
0x113: {  	v2 =	vadd.f32 v2, v3;
	_ =	sdelay $0x1  }
0x114: {  	v2 =	vadd.f32 v4, v2;
	_ =	sdelay $0x1  }
0x115: {  	vm0 =	vgt.f32 v2, $0.0e+00;
	v3 =	vmul.f32 $2.000000030e-01, v2;
	_ =	sdelay $0x1  }
0x116: {  	v2 =	vsel vm0, v2, v3  }
0x117: {  	v2 =	vmul.f32 $1.442695020e+00, v2;
	_ =	sdelay $0x1  }
0x118: {  	(erf) = vpow2.f32 v2;
	_ =	sdelay $0x1  }
0x119: {  	v2 =	vld [tilespmem:s31+$0x28E0]  }
0x11a: {  	v3 =	vld [tilespmem:s31+$0x60];
	_ =	sdelay $0x2  }
0x11b: {  	v4 =	vld [tilespmem:s31+$0x5160];
	_ =	sdelay $0x2  }
0x11c: {  	v5 =	vpop (erf)  }
0x11d: {  	[tilespmem:s31+$0x5150] =	vst v5  }
0x11e: {  	v3 =	vld.idx.msk [tilespmem:v3+s20+$0x0], $0xffff;
	v4 =	vmul.f32 v4, v1  }
0x11f: {  	v2 =	vld.idx.msk [tilespmem:v2+s21+$0x0], $0xffff;
	_ =	sdelay $0x5  }
0x120: {  	v2 =	vadd.f32 v2, v3;
	_ =	sdelay $0x1  }
0x121: {  	v2 =	vadd.f32 v4, v2;
	_ =	sdelay $0x1  }
0x122: {  	vm0 =	vgt.f32 v2, $0.0e+00;
	v3 =	vmul.f32 $2.000000030e-01, v2;
	_ =	sdelay $0x1  }
0x123: {  	v2 =	vsel vm0, v2, v3  }
0x124: {  	v2 =	vmul.f32 $1.442695020e+00, v2;
	_ =	sdelay $0x1  }
0x125: {  	(erf) = vpow2.f32 v2;
	_ =	sdelay $0x1  }
0x126: {  	v2 =	vld [tilespmem:s31+$0x28F0]  }
0x127: {  	v3 =	vld [tilespmem:s31+$0x70];
	_ =	sdelay $0x1  }
0x128: {  	v4 =	vld [tilespmem:s31+$0x5170];
	_ =	sdelay $0x3  }
0x129: {  	v5 =	vpop (erf)  }
0x12a: {  	[tilespmem:s31+$0x5160] =	vst v5;
	v4 =	vmul.f32 v4, v1  }
0x12b: {  	v3 =	vld.idx.msk [tilespmem:v3+s20+$0x0], $0xffff  }
0x12c: {  	v2 =	vld.idx.msk [tilespmem:v2+s21+$0x0], $0xffff;
	_ =	sdelay $0x5  }
0x12d: {  	v2 =	vadd.f32 v2, v3;
	_ =	sdelay $0x1  }
0x12e: {  	v2 =	vadd.f32 v4, v2;
	_ =	sdelay $0x1  }
0x12f: {  	vm0 =	vgt.f32 v2, $0.0e+00;
	v3 =	vmul.f32 $2.000000030e-01, v2  }
.Ltmp1:
0x130: {  	(pc) =	sbr.rel @p0 .LBB2_4-.Ltmp1, $3  }
0x131: {  	v2 =	vsel vm0, v2, v3  }
0x132: {  	v2 =	vmul.f32 $1.442695020e+00, v2;
	_ =	sdelay $0x1  }
0x133: {  	(erf) = vpow2.f32 v2  }
0x134: {  	_ = 	snop  }
0x135: {  	s0 =	sshra.s32 s1, $0x2  }
0x136: {  	v2 =	vld [tilespmem:s0+$0x0]  }
0x137: {  	v3 =	vld [tilespmem:s0+$0x2880];
	_ =	sdelay $0x4  }
0x138: {  	v4 =	vpop (erf)  }
0x139: {  	v5 =	vld [tilespmem:s0+$0x5100];
	[tilespmem:s31+$0x5170] =	vst v4  }
0x13a: {  	v2 =	vld.idx.msk [tilespmem:v2+s20+$0x0], $0xffff  }
0x13b: {  	v3 =	vld.idx.msk [tilespmem:v3+s21+$0x0], $0xffff;
	_ =	sdelay $0x4  }
0x13c: {  	v45 =	vmul.f32 v5, v1;
	v2 =	vadd.f32 v3, v2;
	_ =	sdelay $0x1  }
0x13d: {  	v2 =	vadd.f32 v45, v2;
	_ =	sdelay $0x1  }
0x13e: {  	v3 =	vmul.f32 $2.000000030e-01, v2  }
0x13f: {  	vm0 =	vgt.f32 v2, $0.0e+00  }
0x140: {  	v2 =	vsel vm0, v2, v3  }
0x141: {  	v2 =	vmul.f32 $1.442695020e+00, v2;
	_ =	sdelay $0x1  }
0x142: {  	(erf) = vpow2.f32 v2;
	_ =	sdelay $0x2  }
0x143: {  	v2 =	vld [tilespmem:s0+$0x10]  }
0x144: {  	v3 =	vld [tilespmem:s0+$0x2890];
	_ =	sdelay $0x4  }
0x145: {  	v46 =	vpop (erf)  }
0x146: {  	v47 =	vld [tilespmem:s0+$0x5110];
	[tilespmem:s0+$0x5100] =	vst v46  }
0x147: {  	v2 =	vld.idx.msk [tilespmem:v2+s20+$0x0], $0xffff  }
0x148: {  	v3 =	vld.idx.msk [tilespmem:v3+s21+$0x0], $0xffff;
	_ =	sdelay $0x4  }
0x149: {  	v4 =	vmul.f32 v47, v1;
	v2 =	vadd.f32 v3, v2;
	_ =	sdelay $0x1  }
0x14a: {  	v2 =	vadd.f32 v4, v2;
	_ =	sdelay $0x1  }
0x14b: {  	v3 =	vmul.f32 $2.000000030e-01, v2  }
0x14c: {  	vm9 =	vgt.f32 v2, $0.0e+00  }
0x14d: {  	v2 =	vsel vm9, v2, v3  }
0x14e: {  	v2 =	vmul.f32 $1.442695020e+00, v2;
	_ =	sdelay $0x1  }
0x14f: {  	(erf) = vpow2.f32 v2;
	_ =	sdelay $0x2  }
0x150: {  	v2 =	vld [tilespmem:s0+$0x20]  }
0x151: {  	v3 =	vld [tilespmem:s0+$0x28A0];
	_ =	sdelay $0x4  }
0x152: {  	v48 =	vpop (erf)  }
0x153: {  	v49 =	vld [tilespmem:s0+$0x5120];
	[tilespmem:s0+$0x5110] =	vst v48  }
0x154: {  	v2 =	vld.idx.msk [tilespmem:v2+s20+$0x0], $0xffff  }
0x155: {  	v3 =	vld.idx.msk [tilespmem:v3+s21+$0x0], $0xffff;
	_ =	sdelay $0x4  }
0x156: {  	v4 =	vmul.f32 v49, v1;
	v2 =	vadd.f32 v3, v2;
	_ =	sdelay $0x1  }
0x157: {  	v2 =	vadd.f32 v4, v2;
	_ =	sdelay $0x1  }
0x158: {  	v3 =	vmul.f32 $2.000000030e-01, v2  }
0x159: {  	vm10 =	vgt.f32 v2, $0.0e+00  }
0x15a: {  	v2 =	vsel vm10, v2, v3  }
0x15b: {  	v2 =	vmul.f32 $1.442695020e+00, v2;
	_ =	sdelay $0x1  }
0x15c: {  	(erf) = vpow2.f32 v2;
	_ =	sdelay $0x2  }
0x15d: {  	v2 =	vld [tilespmem:s0+$0x30]  }
0x15e: {  	v3 =	vld [tilespmem:s0+$0x28B0];
	_ =	sdelay $0x4  }
0x15f: {  	v50 =	vpop (erf)  }
0x160: {  	v51 =	vld [tilespmem:s0+$0x5130];
	[tilespmem:s0+$0x5120] =	vst v50  }
0x161: {  	v2 =	vld.idx.msk [tilespmem:v2+s20+$0x0], $0xffff  }
0x162: {  	v3 =	vld.idx.msk [tilespmem:v3+s21+$0x0], $0xffff;
	_ =	sdelay $0x4  }
0x163: {  	v52 =	vmul.f32 v51, v1;
	v2 =	vadd.f32 v3, v2;
	_ =	sdelay $0x1  }
0x164: {  	v2 =	vadd.f32 v52, v2;
	_ =	sdelay $0x1  }
0x165: {  	v3 =	vmul.f32 $2.000000030e-01, v2  }
0x166: {  	vm11 =	vgt.f32 v2, $0.0e+00  }
0x167: {  	v2 =	vsel vm11, v2, v3  }
0x168: {  	v2 =	vmul.f32 $1.442695020e+00, v2;
	_ =	sdelay $0x1  }
0x169: {  	(erf) = vpow2.f32 v2;
	_ =	sdelay $0x2  }
0x16a: {  	v2 =	vld [tilespmem:s0+$0x40]  }
0x16b: {  	v3 =	vld [tilespmem:s0+$0x28C0];
	_ =	sdelay $0x4  }
0x16c: {  	v53 =	vpop (erf)  }
0x16d: {  	v54 =	vld [tilespmem:s0+$0x5140];
	[tilespmem:s0+$0x5130] =	vst v53  }
0x16e: {  	v2 =	vld.idx.msk [tilespmem:v2+s20+$0x0], $0xffff  }
0x16f: {  	v3 =	vld.idx.msk [tilespmem:v3+s21+$0x0], $0xffff;
	_ =	sdelay $0x4  }
0x170: {  	v55 =	vmul.f32 v54, v1;
	v2 =	vadd.f32 v3, v2;
	_ =	sdelay $0x1  }
0x171: {  	v2 =	vadd.f32 v55, v2;
	_ =	sdelay $0x1  }
0x172: {  	v3 =	vmul.f32 $2.000000030e-01, v2  }
0x173: {  	vm12 =	vgt.f32 v2, $0.0e+00  }
0x174: {  	v2 =	vsel vm12, v2, v3  }
0x175: {  	v2 =	vmul.f32 $1.442695020e+00, v2;
	_ =	sdelay $0x1  }
0x176: {  	(erf) = vpow2.f32 v2;
	_ =	sdelay $0x2  }
0x177: {  	v2 =	vld [tilespmem:s0+$0x50]  }
0x178: {  	v3 =	vld [tilespmem:s0+$0x28D0];
	_ =	sdelay $0x4  }
0x179: {  	v56 =	vpop (erf)  }
0x17a: {  	v57 =	vld [tilespmem:s0+$0x5150];
	[tilespmem:s0+$0x5140] =	vst v56  }
0x17b: {  	v2 =	vld.idx.msk [tilespmem:v2+s20+$0x0], $0xffff  }
0x17c: {  	v3 =	vld.idx.msk [tilespmem:v3+s21+$0x0], $0xffff;
	_ =	sdelay $0x4  }
0x17d: {  	v58 =	vmul.f32 v57, v1;
	v2 =	vadd.f32 v3, v2;
	_ =	sdelay $0x1  }
0x17e: {  	v2 =	vadd.f32 v58, v2;
	_ =	sdelay $0x1  }
0x17f: {  	v3 =	vmul.f32 $2.000000030e-01, v2  }
0x180: {  	vm13 =	vgt.f32 v2, $0.0e+00  }
0x181: {  	v2 =	vsel vm13, v2, v3  }
0x182: {  	v2 =	vmul.f32 $1.442695020e+00, v2;
	_ =	sdelay $0x1  }
0x183: {  	(erf) = vpow2.f32 v2;
	_ =	sdelay $0x2  }
0x184: {  	v2 =	vld [tilespmem:s0+$0x60]  }
0x185: {  	v3 =	vld [tilespmem:s0+$0x28E0];
	_ =	sdelay $0x4  }
0x186: {  	v59 =	vpop (erf)  }
0x187: {  	v60 =	vld [tilespmem:s0+$0x5160];
	[tilespmem:s0+$0x5150] =	vst v59  }
0x188: {  	v2 =	vld.idx.msk [tilespmem:v2+s20+$0x0], $0xffff  }
0x189: {  	v3 =	vld.idx.msk [tilespmem:v3+s21+$0x0], $0xffff;
	_ =	sdelay $0x4  }
0x18a: {  	v61 =	vmul.f32 v60, v1;
	v2 =	vadd.f32 v3, v2;
	_ =	sdelay $0x1  }
0x18b: {  	v2 =	vadd.f32 v61, v2;
	_ =	sdelay $0x1  }
0x18c: {  	v3 =	vmul.f32 $2.000000030e-01, v2  }
0x18d: {  	vm14 =	vgt.f32 v2, $0.0e+00  }
0x18e: {  	v2 =	vsel vm14, v2, v3  }
0x18f: {  	v2 =	vmul.f32 $1.442695020e+00, v2;
	_ =	sdelay $0x1  }
0x190: {  	(erf) = vpow2.f32 v2;
	_ =	sdelay $0x2  }
0x191: {  	v2 =	vld [tilespmem:s0+$0x70]  }
0x192: {  	v3 =	vld [tilespmem:s0+$0x28F0];
	_ =	sdelay $0x4  }
0x193: {  	v62 =	vpop (erf)  }
0x194: {  	v63 =	vld [tilespmem:s0+$0x5170];
	[tilespmem:s0+$0x5160] =	vst v62  }
0x195: {  	v2 =	vld.idx.msk [tilespmem:v2+s20+$0x0], $0xffff  }
0x196: {  	v3 =	vld.idx.msk [tilespmem:v3+s21+$0x0], $0xffff;
	_ =	sdelay $0x4  }
0x197: {  	v1 =	vmul.f32 v63, v1;
	v2 =	vadd.f32 v3, v2;
	_ =	sdelay $0x1  }
0x198: {  	v1 =	vadd.f32 v1, v2;
	_ =	sdelay $0x1  }
0x199: {  	v2 =	vmul.f32 $2.000000030e-01, v1  }
0x19a: {  	vm15 =	vgt.f32 v1, $0.0e+00  }
0x19b: {  	v1 =	vsel vm15, v1, v2  }
0x19c: {  	v1 =	vmul.f32 $1.442695020e+00, v1;
	_ =	sdelay $0x1  }
0x19d: {  	(erf) = vpow2.f32 v1;
	_ =	sdelay $0x8  }
0x19e: {  	v1 =	vpop (erf)  }
0x19f: {  	[tilespmem:s0+$0x5170] =	vst v1  }
0x1a0: {  	s19 =	simm.s32 $0x5100;
	s31 =	simm.s32 $0x2880;
	[bflag:$0x0] =	sbarrier.arrive $0xFFFF  }
0x1a1: {  	[spmem:s3] =	stream.indirect.scatter.add.f32 [tilespmem:s19], [sflag:$0x2], $0x1, s31, s25, $0xb8;
	[tilespmem:$0x12910] =	vst v63  }
0x1a2: {  	s1 =	simm.s32 $0x200;
	s0 =	simm.s32 $0x0;
	_ =	swait.ge [sflag:s16], $0x80  }
.LBB2_6:
0x1a3: {  	s17 =	sshra.s32 s1, $0x2  }
0x1a4: {  	[sflag:s16] =	ssyncset.done $0x0;
	p0 =	sne.s32 s1, $0xA000;
	s18 =	sadd.s32 $0x5100, s17  }
.Ltmp2:
0x1a5: {  	s17 =	sadd.s32 $0x2880, s17;
	[sflag:s16] =	ssyncadd.s32 $0xFFFFFF80;
	(pc) =	sbr.rel @p0 .LBB2_6-.Ltmp2, $3  }
0x1a6: {  	[spmem:s3] =	stream.indirect.scatter.add.f32 [tilespmem:s18], [sflag:$0x2], $0x1, s17, s25, $0xb8;
	[tilespmem:$0x12910] =	vst v63  }
0x1a7: {  	s1 =	sadd.s32 $0x200, s1;
	_ =	sdelay $0x1  }
0x1a8: {  	_ =	swait.ge [sflag:s16], $0x80  }
0x1a9: {  	[sflag:s16] =	ssyncset.done $0x0  }
0x1aa: {  	s1 =	simm.s32 $0x5100;
	[sflag:s16] =	ssyncadd.s32 $0xFFFFFF80  }
.LBB2_8:
0x1ab: {  	s31 =	sshll.u32 s0, $0x7;
	v1 =	vmov s1  }
0x1ac: {  	[tilespmem:s26], [sflag:$0x1] =	stream.indirect.gather [hbm4b:s7+s25], $0x10, s31, s25, $0xb8;
	[tilespmem:$0x12910] =	vst v63  }
0x1ad: {  	_ =	swait.ge [sflag:s28], $0x800  }
0x1ae: {  	[sflag:s28] =	ssyncset.done $0x0  }
0x1af: {  	s17 =	simm.s32 $0x0;
	[sflag:s28] =	ssyncadd.s32 $0xFFFFF800  }
0x1b0: {  	v2 =	vld.idx.msk [tilespmem:v1+s17+$0x0 ss:$0x1], $0xffff  }
0x1b1: {  	s17 =	simm.s32 $0xCA00  }
0x1b2: {  	v3 =	vld [tilespmem:s17+$0xFFFFFF80]  }
0x1b3: {  	v4 =	vld [tilespmem:s17+$0xFFFFFF90]  }
0x1b4: {  	v5 =	vld [tilespmem:s17+$0xFFFFFFA0]  }
0x1b5: {  	v6 =	vld [tilespmem:s17+$0xFFFFFFB0];
	v7 =	vbroadcast v2, $0x0  }
0x1b6: {  	v10 =	vld [tilespmem:s17+$0xFFFFFFD0];
	v8 =	vbroadcast v2, $0x1  }
0x1b7: {  	v46 =	vld [tilespmem:s17+$0xFFFFFFE0];
	v11 =	vbroadcast v2, $0x2;
	v3 =	vmul.f32 v7, v3  }
0x1b8: {  	v9 =	vld [tilespmem:s17+$0xFFFFFFC0];
	v45 =	vbroadcast v2, $0x3;
	v4 =	vmul.f32 v4, v8  }
0x1b9: {  	v49 =	vld [tilespmem:s17+$0x10];
	v47 =	vbroadcast v2, $0x5;
	v5 =	vmul.f32 v5, v11;
	[tilespmem:s17+$0xFFFFFF80] =	vst v3  }
0x1ba: {  	v59 =	vld [tilespmem:s17+$0x60];
	v13 =	vbroadcast v2, $0x6;
	v6 =	vmul.f32 v6, v45;
	[tilespmem:s17+$0xFFFFFF90] =	vst v4  }
0x1bb: {  	v12 =	vld [tilespmem:s17+$0xFFFFFFF0];
	v7 =	vmul.f32 v10, v47;
	v3 =	vbroadcast v2, $0x4;
	[tilespmem:s17+$0xFFFFFFA0] =	vst v5  }
0x1bc: {  	v48 =	vld [tilespmem:s17+$0x0];
	v53 =	vbroadcast v2, $0x9;
	v8 =	vmul.f32 v46, v13;
	[tilespmem:s17+$0xFFFFFFB0] =	vst v6  }
0x1bd: {  	v52 =	vld [tilespmem:s17+$0x30];
	v62 =	vbroadcast v2, $0xE;
	[tilespmem:s17+$0xFFFFFFD0] =	vst v7;
	v3 =	vmul.f32 v9, v3  }
0x1be: {  	v55 =	vld [tilespmem:s17+$0x50];
	v50 =	vbroadcast v2, $0x7;
	v58 =	vmul.f32 v49, v53;
	[tilespmem:s17+$0xFFFFFFE0] =	vst v8  }
0x1bf: {  	v51 =	vld [tilespmem:s17+$0x20];
	v63 =	vmul.f32 v59, v62;
	[tilespmem:s17+$0xFFFFFFC0] =	vst v3;
	v3 =	vbroadcast v2, $0x8  }
0x1c0: {  	v54 =	vld [tilespmem:s17+$0x40];
	v57 =	vbroadcast v2, $0xB;
	v5 =	vmul.f32 v12, v50;
	[tilespmem:s17+$0x10] =	vst v58  }
0x1c1: {  	v60 =	vld [tilespmem:s17+$0x70];
	v61 =	vbroadcast v2, $0xD;
	[tilespmem:s17+$0x60] =	vst v63;
	v3 =	vmul.f32 v48, v3  }
0x1c2: {  	v56 =	vbroadcast v2, $0xA;
	v4 =	vmul.f32 v52, v57;
	[tilespmem:s17+$0xFFFFFFF0] =	vst v5  }
0x1c3: {  	v6 =	vmul.f32 v55, v61;
	[tilespmem:s17+$0x0] =	vst v3;
	v3 =	vbroadcast v2, $0xC  }
0x1c4: {  	v9 =	vmul.f32 v51, v56;
	[tilespmem:s17+$0x30] =	vst v4;
	v2 =	vbroadcast v2, $0xF  }
0x1c5: {  	[tilespmem:s17+$0x50] =	vst v6;
	v3 =	vmul.f32 v54, v3  }
0x1c6: {  	[tilespmem:s17+$0x20] =	vst v9;
	v2 =	vmul.f32 v60, v2  }
0x1c7: {  	[tilespmem:s17+$0x40] =	vst v3  }
0x1c8: {  	s19 =	simm.s32 $0x10;
	s18 =	simm.s32 $0x80;
	[tilespmem:s17+$0x70] =	vst v2  }
.LBB2_9:
0x1c9: {  	p0 =	sne.s32 s18, $0x1C0;
	v2 =	vld.idx.msk [tilespmem:v1+s19+$0x0 ss:$0x1], $0xffff;
	s17 =	sadd.s32 $0x100, s17  }
0x1ca: {  	v3 =	vld [tilespmem:s17+$0xFFFFFFB0]  }
0x1cb: {  	v4 =	vld [tilespmem:s17+$0xFFFFFF90]  }
0x1cc: {  	v5 =	vld [tilespmem:s17+$0xFFFFFF80]  }
0x1cd: {  	v6 =	vld [tilespmem:s17+$0xFFFFFFA0]  }
0x1ce: {  	v7 =	vld [tilespmem:s17+$0xFFFFFFF0]  }
0x1cf: {  	v8 =	vbroadcast v2, $0x0;
	v9 =	vbroadcast v2, $0x1;
	v10 =	vld [tilespmem:s17+$0xFFFFFFD0]  }
0x1d0: {  	v11 =	vbroadcast v2, $0x2;
	v12 =	vbroadcast v2, $0x3;
	v13 =	vld [tilespmem:s17+$0xFFFFFFC0]  }
0x1d1: {  	v4 =	vmul.f32 v4, v9;
	v5 =	vmul.f32 v8, v5;
	v8 =	vld [tilespmem:s17+$0xFFFFFFE0]  }
0x1d2: {  	v3 =	vmul.f32 v3, v12;
	v6 =	vmul.f32 v6, v11;
	v9 =	vld [tilespmem:s17+$0x30]  }
0x1d3: {  	v11 =	vbroadcast v2, $0x5;
	[tilespmem:s17+$0xFFFFFF80] =	vst v5;
	v5 =	vbroadcast v2, $0x4;
	v12 =	vld [tilespmem:s17+$0x10]  }
0x1d4: {  	v14 =	vbroadcast v2, $0x7;
	[tilespmem:s17+$0xFFFFFF90] =	vst v4;
	v4 =	vbroadcast v2, $0x6;
	v15 =	vld [tilespmem:s17+$0x0]  }
0x1d5: {  	[tilespmem:s17+$0xFFFFFFA0] =	vst v6;
	v5 =	vmul.f32 v13, v5;
	v6 =	vmul.f32 v10, v11;
	v10 =	vld [tilespmem:s17+$0x20]  }
0x1d6: {  	[tilespmem:s17+$0xFFFFFFB0] =	vst v3;
	v3 =	vmul.f32 v8, v4;
	v4 =	vmul.f32 v7, v14;
	v7 =	vld [tilespmem:s17+$0x70]  }
0x1d7: {  	v8 =	vbroadcast v2, $0x9;
	[tilespmem:s17+$0xFFFFFFC0] =	vst v5;
	v5 =	vbroadcast v2, $0x8;
	v11 =	vld [tilespmem:s17+$0x50]  }
0x1d8: {  	v13 =	vbroadcast v2, $0xB;
	[tilespmem:s17+$0xFFFFFFD0] =	vst v6;
	v6 =	vbroadcast v2, $0xA;
	v14 =	vld [tilespmem:s17+$0x40]  }
0x1d9: {  	[tilespmem:s17+$0xFFFFFFE0] =	vst v3;
	v3 =	vmul.f32 v15, v5;
	v5 =	vmul.f32 v12, v8;
	v8 =	vld [tilespmem:s17+$0x60]  }
0x1da: {  	[tilespmem:s17+$0xFFFFFFF0] =	vst v4;
	v4 =	vmul.f32 v10, v6;
	v6 =	vmul.f32 v9, v13  }
0x1db: {  	v9 =	vbroadcast v2, $0xD;
	[tilespmem:s17+$0x0] =	vst v3;
	v3 =	vbroadcast v2, $0xC  }
0x1dc: {  	[tilespmem:s17+$0x10] =	vst v5;
	v5 =	vbroadcast v2, $0xE;
	v2 =	vbroadcast v2, $0xF  }
0x1dd: {  	[tilespmem:s17+$0x20] =	vst v4;
	v3 =	vmul.f32 v14, v3;
	v4 =	vmul.f32 v11, v9  }
.Ltmp3:
0x1de: {  	[tilespmem:s17+$0x30] =	vst v6;
	v5 =	vmul.f32 v8, v5;
	v2 =	vmul.f32 v7, v2;
	(pc) =	sbr.rel @p0 .LBB2_9-.Ltmp3, $4  }
0x1df: {  	[tilespmem:s17+$0x40] =	vst v3  }
0x1e0: {  	[tilespmem:s17+$0x50] =	vst v4  }
0x1e1: {  	[tilespmem:s17+$0x60] =	vst v5  }
0x1e2: {  	s19 =	sshra.s32 s18, $0x2;
	s18 =	sadd.s32 $0x40, s18;
	[tilespmem:s17+$0x70] =	vst v2  }
0x1e3: {  	_ =	sdelay $0x3  }
0x1e4: {  	v1 =	vld.idx.msk [tilespmem:v1+s19+$0x0 ss:$0x1], $0xffff  }
0x1e5: {  	s17 =	sadd.s32 $0x100, s17  }
0x1e6: {  	v2 =	vld [tilespmem:s17+$0xFFFFFF80]  }
0x1e7: {  	v3 =	vld [tilespmem:s17+$0xFFFFFF90]  }
0x1e8: {  	v4 =	vld [tilespmem:s17+$0xFFFFFFA0]  }
0x1e9: {  	v5 =	vld [tilespmem:s17+$0xFFFFFFB0];
	v6 =	vbroadcast v1, $0x0  }
0x1ea: {  	v9 =	vld [tilespmem:s17+$0xFFFFFFD0];
	v7 =	vbroadcast v1, $0x1  }
0x1eb: {  	v8 =	vld [tilespmem:s17+$0xFFFFFFC0];
	v10 =	vbroadcast v1, $0x2;
	v2 =	vmul.f32 v6, v2  }
0x1ec: {  	v49 =	vld [tilespmem:s17+$0xFFFFFFE0];
	v48 =	vbroadcast v1, $0x3;
	v3 =	vmul.f32 v3, v7  }
0x1ed: {  	v51 =	vld [tilespmem:s17+$0x10];
	v50 =	vbroadcast v1, $0x5;
	v4 =	vmul.f32 v4, v10;
	[tilespmem:s17+$0xFFFFFF80] =	vst v2  }
0x1ee: {  	v11 =	vld [tilespmem:s17+$0xFFFFFFF0];
	v5 =	vmul.f32 v5, v48;
	v2 =	vbroadcast v1, $0x4;
	[tilespmem:s17+$0xFFFFFF90] =	vst v3  }
0x1ef: {  	v12 =	vbroadcast v1, $0x6;
	v6 =	vmul.f32 v9, v50;
	v3 =	vld [tilespmem:s17+$0x0];
	[tilespmem:s17+$0xFFFFFFA0] =	vst v4  }
0x1f0: {  	v57 =	vld [tilespmem:s17+$0x50];
	v55 =	vbroadcast v1, $0x9;
	[tilespmem:s17+$0xFFFFFFB0] =	vst v5;
	v2 =	vmul.f32 v8, v2  }
0x1f1: {  	v53 =	vld [tilespmem:s17+$0x20];
	v52 =	vbroadcast v1, $0x7;
	v7 =	vmul.f32 v49, v12;
	[tilespmem:s17+$0xFFFFFFD0] =	vst v6  }
0x1f2: {  	v54 =	vld [tilespmem:s17+$0x30];
	v59 =	vmul.f32 v51, v55;
	[tilespmem:s17+$0xFFFFFFC0] =	vst v2;
	v2 =	vbroadcast v1, $0x8  }
0x1f3: {  	v56 =	vld [tilespmem:s17+$0x40];
	v62 =	vbroadcast v1, $0xD;
	v4 =	vmul.f32 v11, v52;
	[tilespmem:s17+$0xFFFFFFE0] =	vst v7  }
0x1f4: {  	v60 =	vld [tilespmem:s17+$0x60];
	v58 =	vbroadcast v1, $0xA;
	[tilespmem:s17+$0x10] =	vst v59;
	v2 =	vmul.f32 v3, v2  }
0x1f5: {  	v61 =	vld [tilespmem:s17+$0x70];
	v5 =	vmul.f32 v57, v62;
	[tilespmem:s17+$0xFFFFFFF0] =	vst v4;
	v3 =	vbroadcast v1, $0xB  }
0x1f6: {  	v8 =	vmul.f32 v53, v58;
	[tilespmem:s17+$0x0] =	vst v2;
	v2 =	vbroadcast v1, $0xC  }
0x1f7: {  	v63 =	vbroadcast v1, $0xE;
	[tilespmem:s17+$0x50] =	vst v5;
	v3 =	vmul.f32 v54, v3  }
0x1f8: {  	[tilespmem:s17+$0x20] =	vst v8;
	v1 =	vbroadcast v1, $0xF;
	v2 =	vmul.f32 v56, v2  }
0x1f9: {  	[tilespmem:s17+$0x30] =	vst v3;
	v3 =	vmul.f32 v60, v63  }
0x1fa: {  	s0 =	sadd.s32 $0x1, s0;
	v1 =	vmul.f32 v61, v1;
	[tilespmem:s17+$0x40] =	vst v2  }
0x1fb: {  	p0 =	sne.s32 s0, $0x51;
	[tilespmem:s17+$0x60] =	vst v3  }
.Ltmp4:
0x1fc: {  	s31 =	sadd.s32 $0x2880, s31;
	[tilespmem:s17+$0x70] =	vst v1;
	(pc) =	sbr.rel @p0 .LBB2_8-.Ltmp4, $4  }
0x1fd: {  	[spmem:s2] =	stream.indirect.scatter.add.f32 [tilespmem:s26], [sflag:$0x2], $0x10, s31, s25, $0xb8;
	[tilespmem:$0x12910] =	vst v63  }
0x1fe: {  	_ =	swait.ge [sflag:s16], $0x800  }
0x1ff: {  	[sflag:s16] =	ssyncset.done $0x0  }
0x200: {  	s1 =	sadd.s32 $0x80, s1;
	[sflag:s16] =	ssyncadd.s32 $0xFFFFF800  }
0x201: {  	[bflag:$0x0] =	sbarrier.arrive $0xFFFF  }
0x202: {  	[tilespmem:s29], [sflag:$0x2] =	stream.linear.gather [spmem:s10], $0x280, $0x38;
	[tilespmem:$0x12910] =	vst v63  }
0x203: {  	_ =	swait.ge [sflag:s16], $0x280  }
0x204: {  	[sflag:s16] =	ssyncset.done $0x0  }
0x205: {  	[sflag:s16] =	ssyncadd.s32 $0xFFFFFD80  }
0x206: {  	[hbm4b:s22+s4] =	stream.linear.scatter [tilespmem:s29], [sflag:$0x2], $0x280, $0x38;
	[tilespmem:$0x12910] =	vst v63  }
0x207: {  	_ =	swait.ge [sflag:s16], $0x280  }
0x208: {  	[sflag:s16] =	ssyncset.done $0x0  }
0x209: {  	[sflag:s16] =	ssyncadd.s32 $0xFFFFFD80  }
0x20a: {  	[tilespmem:s15], [sflag:$0x2] =	stream.linear.gather [spmem:s9], $0x2800, $0x38;
	[tilespmem:$0x12910] =	vst v63  }
0x20b: {  	s30 =	sadd.s32 $0x1, s30;
	_ =	swait.ge [sflag:s16], $0x2800  }
0x20c: {  	p0 =	sne.s32 s30, s14;
	[sflag:s16] =	ssyncset.done $0x0  }
.Ltmp5:
0x20d: {  	[sflag:s16] =	ssyncadd.s32 $0xFFFFD800;
	(pc) =	sbr.rel @p0 .LBB2_1-.Ltmp5, $4  }
0x20e: {  	[hbm4b:s24+s4] =	stream.linear.scatter [tilespmem:s15], [sflag:$0x2], $0x2800, $0x38;
	[tilespmem:$0x12910] =	vst v63  }
0x20f: {  	_ =	swait.ge [sflag:s16], $0x2800  }
0x210: {  	[sflag:s16] =	ssyncset.done $0x0  }
0x211: {  	[sflag:s16] =	ssyncadd.s32 $0xFFFFD800  }
0x212: {  	_ =	sfence.sel $0x180000  }
0x213: {  	[bflag:$0x0] =	sbarrier.arrive $0xFFFF  }
0x214: {  	_ =	strace $0x90000047  }
0x215: {  	s0 =	stileid.u32;
	[bflag:$0x2] =	sbarrier.arrive $0xFFFF  }
0x216: {  	p0 =	sne.s32 s0, $0x0;
	s0 =	rddreg [dreg:$0x3]  }
0x217: {  	s0 =	sadd.s32 @!p0 $0x100000, s0  }
0x218: {  	[sflag:s0] =	ssyncadd.tile.s32 @!p0 $0x1;
	_ =	shalt  }
.Lfunc_end2:
_tile_overlayer_lowered:
.L_overlay_start_2:
0x219: {  	(tag) =	ssettag $0x2  }
0x21a: {  	s0 =	rddreg [dreg:$0x0];
	s2 =	stileid.u32  }
0x21b: {  	s1 =	rddreg [dreg:$0x1];
	p0 =	sne.s32 s2, $0x0  }
0x21c: {  	s3 =	rddreg [dreg:$0x2];
	[bflag:$0x3] =	sbarrier.arrive $0xFFFF;
	s2 =	simm.s32 @!p0 $0x1C02  }
0x21d: {  	[timem:s3], [sflag:s2] =	dma.local @!p0 [hbm:s0], s1  }
0x21e: {  	s0 =	simm.s32 @!p0 $0x2  }
0x21f: {  	_ =	swait.ge @!p0 [sflag:s0], s1  }
0x220: {  	s1 =	ssub.s32 @!p0 $0x0, s1;
	[sflag:s0] =	ssyncset.done @!p0 $0x0  }
0x221: {  	[sflag:s0] =	ssyncadd.s32 @!p0 s1  }
0x222: {  	[bflag:$0x3] =	sbarrier.arrive $0xFFFF  }
0x223: {  	_ =	shalt  }

</sc_bundles>
